<compile_context>
chip_gen: v7x
topology: tpu7x:2x2x1
jax: 0.10.2.dev20260603
libtpu: 0.0.44.dev20260713+nightly
codegen_flags: <defaults>
</compile_context>

<pallas_src>
import functools

import jax
import jax.numpy as jnp
from jax import lax
from jax.experimental import pallas as pl
from jax.experimental.pallas import tpu as pltpu
from jax.experimental.pallas import tpu_sc as plsc

NUM_SEGMENTS = 128
D_FEAT = 128
N_ROWS = 100000

WIN = 80
NC = 2
NS = 16
NW = NC * NS
SLOTS = 20
SC_WINDOWS = NW * SLOTS
SC_ROWS = SC_WINDOWS * WIN

TC_BLOCK = 800
TC_ROWS = N_ROWS - SC_ROWS
TC_STEPS = TC_ROWS // TC_BLOCK
TC_ROW0 = SC_ROWS // TC_BLOCK


def _sc_segment_sums(feat, ids2d):
    mesh = plsc.VectorSubcoreMesh(core_axis_name="c", subcore_axis_name="s")

    @functools.partial(
        pl.kernel,
        out_type=(
            jax.ShapeDtypeStruct((NC, NUM_SEGMENTS, D_FEAT), jnp.float32),
            jax.ShapeDtypeStruct((NW, NUM_SEGMENTS), jnp.float32),
        ),
        mesh=mesh,
        compiler_params=pltpu.CompilerParams(
            use_tc_tiling_on_sc=False, needs_layout_passes=False),
        scratch_types=[
            pltpu.VMEM((WIN, D_FEAT), jnp.float32),
            pltpu.VMEM((WIN, D_FEAT), jnp.float32),
            pltpu.VMEM((SLOTS, WIN), jnp.int32),
            pltpu.VMEM((NUM_SEGMENTS,), jnp.float32),
            pltpu.VMEM_SHARED((NUM_SEGMENTS, D_FEAT), jnp.float32),
            pltpu.SemaphoreType.DMA,
            pltpu.SemaphoreType.DMA,
        ],
    )
    def seg_sum(feat_hbm, ids_hbm, out_sum, out_cnt,
                fbuf_a, fbuf_b, idx_all, cnt_buf, acc_sh, sem_a, sem_b):
        c = lax.axis_index("c")
        s = lax.axis_index("s")
        w = s * NC + c
        b_w = SLOTS * w

        def gather(l, buf, sem):
            pltpu.make_async_copy(
                feat_hbm.at[pl.ds((b_w + l) * WIN, WIN)], buf, sem).start()

        def wait(l, buf, sem):
            pltpu.make_async_copy(
                feat_hbm.at[pl.ds((b_w + l) * WIN, WIN)], buf, sem).wait()

        z16 = jnp.zeros((16,), jnp.float32)
        for j in range(NUM_SEGMENTS // 16):
            cnt_buf[pl.ds(j * 16, 16)] = z16
        rows_per_tile = NUM_SEGMENTS // NS
        for i in range(rows_per_tile):
            for j in range(D_FEAT // 16):
                fbuf_a[i, pl.ds(j * 16, 16)] = z16
        pltpu.sync_copy(fbuf_a.at[pl.ds(0, rows_per_tile)],
                        acc_sh.at[pl.ds(s * rows_per_tile, rows_per_tile)])

        gather(0, fbuf_a, sem_a)
        gather(1, fbuf_b, sem_b)
        pltpu.sync_copy(ids_hbm.at[pl.ds(b_w, SLOTS)], idx_all)
        plsc.subcore_barrier()

        ones16 = jnp.ones((16,), jnp.float32)

        def process(l, buf, sem):
            wait(l, buf, sem)
            row = idx_all.at[l]
            for k in range(WIN // 16):
                ids16 = idx_all[l, pl.ds(k * 16, 16)]
                plsc.addupdate_scatter(cnt_buf, [ids16], ones16)
            pltpu.sync_copy(buf, acc_sh.at[row], add=True)

        def body(i, carry):
            l0 = 2 * i
            l1 = 2 * i + 1

            process(l0, fbuf_a, sem_a)

            @pl.when(l0 + 2 < SLOTS)
            def _():
                gather(l0 + 2, fbuf_a, sem_a)

            process(l1, fbuf_b, sem_b)

            @pl.when(l1 + 2 < SLOTS)
            def _():
                gather(l1 + 2, fbuf_b, sem_b)

            return carry

        lax.fori_loop(0, SLOTS // 2, body, 0)

        pltpu.sync_copy(cnt_buf, out_cnt.at[w])
        plsc.subcore_barrier()

        @pl.when(s == 0)
        def _():
            pltpu.sync_copy(acc_sh, out_sum.at[c])

    return seg_sum(feat, ids2d)


def _tc_segment_sums(feat, ids3d):
    def body(feat_ref, ids_ref, sum_ref, cnt_ref):
        i = pl.program_id(0)
        seg_iota = lax.broadcasted_iota(jnp.int32, (NUM_SEGMENTS, TC_BLOCK), 0)
        onehot = (seg_iota == ids_ref[0]).astype(jnp.bfloat16)
        partial = jnp.dot(onehot, feat_ref[...].astype(jnp.bfloat16),
                          preferred_element_type=jnp.float32)
        pcnt = jnp.sum(onehot.astype(jnp.float32), axis=1)[None, :]

        @pl.when(i == 0)
        def _():
            sum_ref[...] = partial
            cnt_ref[...] = pcnt

        @pl.when(i > 0)
        def _():
            sum_ref[...] += partial
            cnt_ref[...] += pcnt

    return pl.pallas_call(
        body,
        grid=(TC_STEPS,),
        in_specs=[
            pl.BlockSpec((TC_BLOCK, D_FEAT), lambda i: (TC_ROW0 + i, 0)),
            pl.BlockSpec((1, 1, TC_BLOCK), lambda i: (TC_ROW0 + i, 0, 0)),
        ],
        out_specs=[
            pl.BlockSpec((NUM_SEGMENTS, D_FEAT), lambda i: (0, 0)),
            pl.BlockSpec((1, NUM_SEGMENTS), lambda i: (0, 0)),
        ],
        out_shape=[
            jax.ShapeDtypeStruct((NUM_SEGMENTS, D_FEAT), jnp.float32),
            jax.ShapeDtypeStruct((1, NUM_SEGMENTS), jnp.float32),
        ],
    )(feat, ids3d)


def _merge_and_divide(sc_sums, sc_cnts, tc_sum, tc_cnt):
    def combine(ssum_ref, scnt_ref, tsum_ref, tcnt_ref, out_ref):
        total = ssum_ref[0] + ssum_ref[1] + tsum_ref[...]
        cnt = jnp.sum(scnt_ref[...], axis=0) + tcnt_ref[0]
        denom = jnp.maximum(cnt, 1.0)[:, None]
        out_ref[...] = total / denom

    return pl.pallas_call(
        combine,
        out_shape=jax.ShapeDtypeStruct((NUM_SEGMENTS, D_FEAT), jnp.float32),
    )(sc_sums, sc_cnts, tc_sum, tc_cnt)


@jax.jit
def kernel(feat, segment_ids):
    ids = segment_ids.astype(jnp.int32)
    ids2d = ids.reshape(N_ROWS // WIN, WIN)
    ids3d = ids.reshape(N_ROWS // TC_BLOCK, 1, TC_BLOCK)
    sc_sums, sc_cnts = _sc_segment_sums(feat, ids2d)
    tc_sum, tc_cnt = _tc_segment_sums(feat, ids3d)
    return _merge_and_divide(sc_sums, sc_cnts, tc_sum, tc_cnt)

# --- scband reference (transcript-rebuilt; emitter-appended) ---
"""Pipeline reference for scband-avg-pooling-26542897889303 (READ-ONLY COPY).

The authoritative reference and input builder live on the scoring server;
editing this copy changes nothing except your own understanding.
"""

import jax, jax.numpy as jnp
import numpy as np

NUM_GRAPHS = 128
N_NODES = 100000
D_FEAT = 128

def setup_inputs(seed: int = 0) -> dict:
    key = jax.random.key(seed)
    k1, k2 = jax.random.split(key)
    feat = jax.random.normal(k1, (N_NODES, D_FEAT), dtype=jnp.float32)
    segment_ids = jnp.sort(jax.random.randint(k2, (N_NODES,), 0, NUM_GRAPHS, dtype=jnp.int64))
    return {"feat": feat, "segment_ids": segment_ids}

def reference(feat, segment_ids):
    # AvgPooling over nodes per graph: r^{(i)} = (1/N_i) * sum_k x^{(i)}_k
    sums = jax.ops.segment_sum(feat, segment_ids, num_segments=NUM_GRAPHS)
    ones = jnp.ones((feat.shape[0],), dtype=feat.dtype)
    counts = jax.ops.segment_sum(ones, segment_ids, num_segments=NUM_GRAPHS)
    readout = sums / jnp.maximum(counts, 1.0)[:, None]
    return readout

if __name__ == "__main__":
    import jax
    _d = setup_inputs()
    print(jax.jit(kernel)(*tuple(_d.values())))

</pallas_src>

<mosaic_0001>
#map = affine_map<(d0, d1) -> (0, 0)>
#map1 = affine_map<(d0, d1) -> (0, 0, 0)>
module attributes {stable_mosaic.version = 14 : i64} {
  func.func @seg_sum(%arg0: i32, %arg1: i32, %arg2: memref<100000x128xf32, #tpu.memory_space<hbm>>, %arg3: memref<1250x80xi32, #tpu.memory_space<hbm>>, %arg4: memref<2x128x128xf32, #tpu.memory_space<hbm>>, %arg5: memref<32x128xf32, #tpu.memory_space<hbm>>, %arg6: memref<80x128xf32, #tpu.memory_space<vmem>>, %arg7: memref<80x128xf32, #tpu.memory_space<vmem>>, %arg8: memref<20x80xi32, #tpu.memory_space<vmem>>, %arg9: memref<128xf32, #tpu.memory_space<vmem>>, %arg10: memref<128x128xf32, #tpu.memory_space<vmem_shared>>, %arg11: memref<!tpu.dma_semaphore, #tpu.memory_space<semaphore_mem>>, %arg12: memref<!tpu.dma_semaphore, #tpu.memory_space<semaphore_mem>>) attributes {dimension_semantics = [#tpu.dimension_semantics<core_parallel>, #tpu.dimension_semantics<subcore_parallel>], iteration_bounds = array<i64: 2, 16>, scalar_prefetch = 0 : i64, scratch_operands = 7 : i64, tpu.core_type = #tpu.core_type<sc_vector_subcore>, window_params = [{transform_indices = #map}, {transform_indices = #map}, {transform_indices = #map1}, {transform_indices = #map}]} {
    %mul3A = arith.constant 2 : i32
    %mul3A_0 = arith.muli %arg1, %mul3A : i32
    %add3A = arith.addi %mul3A_0, %arg0 : i32
    %mul3A_1 = arith.constant 20 : i32
    %mul3A_2 = arith.muli %mul3A_1, %add3A : i32
    %broadcast_in_dim3A = arith.constant 0.000000e+00 : f32
    %broadcast_in_dim3A_3 = vector.broadcast %broadcast_in_dim3A : f32 to vector<16xf32>
    %swap3A = arith.constant 0 : index
    %swap3A_4 = tpu.vector_load %arg9[%swap3A] {strides = array<i32>} : memref<128xf32, #tpu.memory_space<vmem>>, vector<16xf32>,
    tpu.vector_store %arg9[%swap3A], %broadcast_in_dim3A_3 {strides = array<i32>} : memref<128xf32, #tpu.memory_space<vmem>>, vector<16xf32>,
    %swap3A_5 = arith.constant 16 : index
    %swap3A_6 = tpu.vector_load %arg9[%swap3A_5] {strides = array<i32>} : memref<128xf32, #tpu.memory_space<vmem>>, vector<16xf32>,
    tpu.vector_store %arg9[%swap3A_5], %broadcast_in_dim3A_3 {strides = array<i32>} : memref<128xf32, #tpu.memory_space<vmem>>, vector<16xf32>,
    %swap3A_7 = arith.constant 32 : index
    %swap3A_8 = tpu.vector_load %arg9[%swap3A_7] {strides = array<i32>} : memref<128xf32, #tpu.memory_space<vmem>>, vector<16xf32>,
    tpu.vector_store %arg9[%swap3A_7], %broadcast_in_dim3A_3 {strides = array<i32>} : memref<128xf32, #tpu.memory_space<vmem>>, vector<16xf32>,
    %swap3A_9 = arith.constant 48 : index
    %swap3A_10 = tpu.vector_load %arg9[%swap3A_9] {strides = array<i32>} : memref<128xf32, #tpu.memory_space<vmem>>, vector<16xf32>,
    tpu.vector_store %arg9[%swap3A_9], %broadcast_in_dim3A_3 {strides = array<i32>} : memref<128xf32, #tpu.memory_space<vmem>>, vector<16xf32>,
    %swap3A_11 = arith.constant 64 : index
    %swap3A_12 = tpu.vector_load %arg9[%swap3A_11] {strides = array<i32>} : memref<128xf32, #tpu.memory_space<vmem>>, vector<16xf32>,
    tpu.vector_store %arg9[%swap3A_11], %broadcast_in_dim3A_3 {strides = array<i32>} : memref<128xf32, #tpu.memory_space<vmem>>, vector<16xf32>,
    %swap3A_13 = arith.constant 80 : index
    %swap3A_14 = tpu.vector_load %arg9[%swap3A_13] {strides = array<i32>} : memref<128xf32, #tpu.memory_space<vmem>>, vector<16xf32>,
    tpu.vector_store %arg9[%swap3A_13], %broadcast_in_dim3A_3 {strides = array<i32>} : memref<128xf32, #tpu.memory_space<vmem>>, vector<16xf32>,
    %swap3A_15 = arith.constant 96 : index
    %swap3A_16 = tpu.vector_load %arg9[%swap3A_15] {strides = array<i32>} : memref<128xf32, #tpu.memory_space<vmem>>, vector<16xf32>,
    tpu.vector_store %arg9[%swap3A_15], %broadcast_in_dim3A_3 {strides = array<i32>} : memref<128xf32, #tpu.memory_space<vmem>>, vector<16xf32>,
    %swap3A_17 = arith.constant 112 : index
    %swap3A_18 = tpu.vector_load %arg9[%swap3A_17] {strides = array<i32>} : memref<128xf32, #tpu.memory_space<vmem>>, vector<16xf32>,
    tpu.vector_store %arg9[%swap3A_17], %broadcast_in_dim3A_3 {strides = array<i32>} : memref<128xf32, #tpu.memory_space<vmem>>, vector<16xf32>,
    %swap3A_19 = arith.constant 0 : i32
    %swap3A_20 = arith.index_cast %swap3A_19 : i32 to index
    %swap3A_21 = arith.constant 0 : index
    %swap3A_22 = tpu.vector_load %arg6[%swap3A_20, %swap3A_21] {strides = array<i32>} : memref<80x128xf32, #tpu.memory_space<vmem>>, vector<16xf32>,
    tpu.vector_store %arg6[%swap3A_20, %swap3A_21], %broadcast_in_dim3A_3 {strides = array<i32>} : memref<80x128xf32, #tpu.memory_space<vmem>>, vector<16xf32>,
    %swap3A_23 = arith.constant 0 : i32
    %swap3A_24 = arith.index_cast %swap3A_23 : i32 to index
    %swap3A_25 = arith.constant 16 : index
    %swap3A_26 = tpu.vector_load %arg6[%swap3A_24, %swap3A_25] {strides = array<i32>} : memref<80x128xf32, #tpu.memory_space<vmem>>, vector<16xf32>,
    tpu.vector_store %arg6[%swap3A_24, %swap3A_25], %broadcast_in_dim3A_3 {strides = array<i32>} : memref<80x128xf32, #tpu.memory_space<vmem>>, vector<16xf32>,
    %swap3A_27 = arith.constant 0 : i32
    %swap3A_28 = arith.index_cast %swap3A_27 : i32 to index
    %swap3A_29 = arith.constant 32 : index
    %swap3A_30 = tpu.vector_load %arg6[%swap3A_28, %swap3A_29] {strides = array<i32>} : memref<80x128xf32, #tpu.memory_space<vmem>>, vector<16xf32>,
    tpu.vector_store %arg6[%swap3A_28, %swap3A_29], %broadcast_in_dim3A_3 {strides = array<i32>} : memref<80x128xf32, #tpu.memory_space<vmem>>, vector<16xf32>,
    %swap3A_31 = arith.constant 0 : i32
    %swap3A_32 = arith.index_cast %swap3A_31 : i32 to index
    %swap3A_33 = arith.constant 48 : index
    %swap3A_34 = tpu.vector_load %arg6[%swap3A_32, %swap3A_33] {strides = array<i32>} : memref<80x128xf32, #tpu.memory_space<vmem>>, vector<16xf32>,
    tpu.vector_store %arg6[%swap3A_32, %swap3A_33], %broadcast_in_dim3A_3 {strides = array<i32>} : memref<80x128xf32, #tpu.memory_space<vmem>>, vector<16xf32>,
    %swap3A_35 = arith.constant 0 : i32
    %swap3A_36 = arith.index_cast %swap3A_35 : i32 to index
    %swap3A_37 = arith.constant 64 : index
    %swap3A_38 = tpu.vector_load %arg6[%swap3A_36, %swap3A_37] {strides = array<i32>} : memref<80x128xf32, #tpu.memory_space<vmem>>, vector<16xf32>,
    tpu.vector_store %arg6[%swap3A_36, %swap3A_37], %broadcast_in_dim3A_3 {strides = array<i32>} : memref<80x128xf32, #tpu.memory_space<vmem>>, vector<16xf32>,
    %swap3A_39 = arith.constant 0 : i32
    %swap3A_40 = arith.index_cast %swap3A_39 : i32 to index
    %swap3A_41 = arith.constant 80 : index
    %swap3A_42 = tpu.vector_load %arg6[%swap3A_40, %swap3A_41] {strides = array<i32>} : memref<80x128xf32, #tpu.memory_space<vmem>>, vector<16xf32>,
    tpu.vector_store %arg6[%swap3A_40, %swap3A_41], %broadcast_in_dim3A_3 {strides = array<i32>} : memref<80x128xf32, #tpu.memory_space<vmem>>, vector<16xf32>,
    %swap3A_43 = arith.constant 0 : i32
    %swap3A_44 = arith.index_cast %swap3A_43 : i32 to index
    %swap3A_45 = arith.constant 96 : index
    %swap3A_46 = tpu.vector_load %arg6[%swap3A_44, %swap3A_45] {strides = array<i32>} : memref<80x128xf32, #tpu.memory_space<vmem>>, vector<16xf32>,
    tpu.vector_store %arg6[%swap3A_44, %swap3A_45], %broadcast_in_dim3A_3 {strides = array<i32>} : memref<80x128xf32, #tpu.memory_space<vmem>>, vector<16xf32>,
    %swap3A_47 = arith.constant 0 : i32
    %swap3A_48 = arith.index_cast %swap3A_47 : i32 to index
    %swap3A_49 = arith.constant 112 : index
    %swap3A_50 = tpu.vector_load %arg6[%swap3A_48, %swap3A_49] {strides = array<i32>} : memref<80x128xf32, #tpu.memory_space<vmem>>, vector<16xf32>,
    tpu.vector_store %arg6[%swap3A_48, %swap3A_49], %broadcast_in_dim3A_3 {strides = array<i32>} : memref<80x128xf32, #tpu.memory_space<vmem>>, vector<16xf32>,
    %swap3A_51 = arith.constant 1 : i32
    %swap3A_52 = arith.index_cast %swap3A_51 : i32 to index
    %swap3A_53 = arith.constant 0 : index
    %swap3A_54 = tpu.vector_load %arg6[%swap3A_52, %swap3A_53] {strides = array<i32>} : memref<80x128xf32, #tpu.memory_space<vmem>>, vector<16xf32>,
    tpu.vector_store %arg6[%swap3A_52, %swap3A_53], %broadcast_in_dim3A_3 {strides = array<i32>} : memref<80x128xf32, #tpu.memory_space<vmem>>, vector<16xf32>,
    %swap3A_55 = arith.constant 1 : i32
    %swap3A_56 = arith.index_cast %swap3A_55 : i32 to index
    %swap3A_57 = arith.constant 16 : index
    %swap3A_58 = tpu.vector_load %arg6[%swap3A_56, %swap3A_57] {strides = array<i32>} : memref<80x128xf32, #tpu.memory_space<vmem>>, vector<16xf32>,
    tpu.vector_store %arg6[%swap3A_56, %swap3A_57], %broadcast_in_dim3A_3 {strides = array<i32>} : memref<80x128xf32, #tpu.memory_space<vmem>>, vector<16xf32>,
    %swap3A_59 = arith.constant 1 : i32
    %swap3A_60 = arith.index_cast %swap3A_59 : i32 to index
    %swap3A_61 = arith.constant 32 : index
    %swap3A_62 = tpu.vector_load %arg6[%swap3A_60, %swap3A_61] {strides = array<i32>} : memref<80x128xf32, #tpu.memory_space<vmem>>, vector<16xf32>,
    tpu.vector_store %arg6[%swap3A_60, %swap3A_61], %broadcast_in_dim3A_3 {strides = array<i32>} : memref<80x128xf32, #tpu.memory_space<vmem>>, vector<16xf32>,
    %swap3A_63 = arith.constant 1 : i32
    %swap3A_64 = arith.index_cast %swap3A_63 : i32 to index
    %swap3A_65 = arith.constant 48 : index
    %swap3A_66 = tpu.vector_load %arg6[%swap3A_64, %swap3A_65] {strides = array<i32>} : memref<80x128xf32, #tpu.memory_space<vmem>>, vector<16xf32>,
    tpu.vector_store %arg6[%swap3A_64, %swap3A_65], %broadcast_in_dim3A_3 {strides = array<i32>} : memref<80x128xf32, #tpu.memory_space<vmem>>, vector<16xf32>,
    %swap3A_67 = arith.constant 1 : i32
    %swap3A_68 = arith.index_cast %swap3A_67 : i32 to index
    %swap3A_69 = arith.constant 64 : index
    %swap3A_70 = tpu.vector_load %arg6[%swap3A_68, %swap3A_69] {strides = array<i32>} : memref<80x128xf32, #tpu.memory_space<vmem>>, vector<16xf32>,
    tpu.vector_store %arg6[%swap3A_68, %swap3A_69], %broadcast_in_dim3A_3 {strides = array<i32>} : memref<80x128xf32, #tpu.memory_space<vmem>>, vector<16xf32>,
    %swap3A_71 = arith.constant 1 : i32
    %swap3A_72 = arith.index_cast %swap3A_71 : i32 to index
    %swap3A_73 = arith.constant 80 : index
    %swap3A_74 = tpu.vector_load %arg6[%swap3A_72, %swap3A_73] {strides = array<i32>} : memref<80x128xf32, #tpu.memory_space<vmem>>, vector<16xf32>,
    tpu.vector_store %arg6[%swap3A_72, %swap3A_73], %broadcast_in_dim3A_3 {strides = array<i32>} : memref<80x128xf32, #tpu.memory_space<vmem>>, vector<16xf32>,
    %swap3A_75 = arith.constant 1 : i32
    %swap3A_76 = arith.index_cast %swap3A_75 : i32 to index
    %swap3A_77 = arith.constant 96 : index
    %swap3A_78 = tpu.vector_load %arg6[%swap3A_76, %swap3A_77] {strides = array<i32>} : memref<80x128xf32, #tpu.memory_space<vmem>>, vector<16xf32>,
    tpu.vector_store %arg6[%swap3A_76, %swap3A_77], %broadcast_in_dim3A_3 {strides = array<i32>} : memref<80x128xf32, #tpu.memory_space<vmem>>, vector<16xf32>,
    %swap3A_79 = arith.constant 1 : i32
    %swap3A_80 = arith.index_cast %swap3A_79 : i32 to index
    %swap3A_81 = arith.constant 112 : index
    %swap3A_82 = tpu.vector_load %arg6[%swap3A_80, %swap3A_81] {strides = array<i32>} : memref<80x128xf32, #tpu.memory_space<vmem>>, vector<16xf32>,
    tpu.vector_store %arg6[%swap3A_80, %swap3A_81], %broadcast_in_dim3A_3 {strides = array<i32>} : memref<80x128xf32, #tpu.memory_space<vmem>>, vector<16xf32>,
    %swap3A_83 = arith.constant 2 : i32
    %swap3A_84 = arith.index_cast %swap3A_83 : i32 to index
    %swap3A_85 = arith.constant 0 : index
    %swap3A_86 = tpu.vector_load %arg6[%swap3A_84, %swap3A_85] {strides = array<i32>} : memref<80x128xf32, #tpu.memory_space<vmem>>, vector<16xf32>,
    tpu.vector_store %arg6[%swap3A_84, %swap3A_85], %broadcast_in_dim3A_3 {strides = array<i32>} : memref<80x128xf32, #tpu.memory_space<vmem>>, vector<16xf32>,
    %swap3A_87 = arith.constant 2 : i32
    %swap3A_88 = arith.index_cast %swap3A_87 : i32 to index
    %swap3A_89 = arith.constant 16 : index
    %swap3A_90 = tpu.vector_load %arg6[%swap3A_88, %swap3A_89] {strides = array<i32>} : memref<80x128xf32, #tpu.memory_space<vmem>>, vector<16xf32>,
    tpu.vector_store %arg6[%swap3A_88, %swap3A_89], %broadcast_in_dim3A_3 {strides = array<i32>} : memref<80x128xf32, #tpu.memory_space<vmem>>, vector<16xf32>,
    %swap3A_91 = arith.constant 2 : i32
    %swap3A_92 = arith.index_cast %swap3A_91 : i32 to index
    %swap3A_93 = arith.constant 32 : index
    %swap3A_94 = tpu.vector_load %arg6[%swap3A_92, %swap3A_93] {strides = array<i32>} : memref<80x128xf32, #tpu.memory_space<vmem>>, vector<16xf32>,
    tpu.vector_store %arg6[%swap3A_92, %swap3A_93], %broadcast_in_dim3A_3 {strides = array<i32>} : memref<80x128xf32, #tpu.memory_space<vmem>>, vector<16xf32>,
    %swap3A_95 = arith.constant 2 : i32
    %swap3A_96 = arith.index_cast %swap3A_95 : i32 to index
    %swap3A_97 = arith.constant 48 : index
    %swap3A_98 = tpu.vector_load %arg6[%swap3A_96, %swap3A_97] {strides = array<i32>} : memref<80x128xf32, #tpu.memory_space<vmem>>, vector<16xf32>,
    tpu.vector_store %arg6[%swap3A_96, %swap3A_97], %broadcast_in_dim3A_3 {strides = array<i32>} : memref<80x128xf32, #tpu.memory_space<vmem>>, vector<16xf32>,
    %swap3A_99 = arith.constant 2 : i32
    %swap3A_100 = arith.index_cast %swap3A_99 : i32 to index
    %swap3A_101 = arith.constant 64 : index
    %swap3A_102 = tpu.vector_load %arg6[%swap3A_100, %swap3A_101] {strides = array<i32>} : memref<80x128xf32, #tpu.memory_space<vmem>>, vector<16xf32>,
    tpu.vector_store %arg6[%swap3A_100, %swap3A_101], %broadcast_in_dim3A_3 {strides = array<i32>} : memref<80x128xf32, #tpu.memory_space<vmem>>, vector<16xf32>,
    %swap3A_103 = arith.constant 2 : i32
    %swap3A_104 = arith.index_cast %swap3A_103 : i32 to index
    %swap3A_105 = arith.constant 80 : index
    %swap3A_106 = tpu.vector_load %arg6[%swap3A_104, %swap3A_105] {strides = array<i32>} : memref<80x128xf32, #tpu.memory_space<vmem>>, vector<16xf32>,
    tpu.vector_store %arg6[%swap3A_104, %swap3A_105], %broadcast_in_dim3A_3 {strides = array<i32>} : memref<80x128xf32, #tpu.memory_space<vmem>>, vector<16xf32>,
    %swap3A_107 = arith.constant 2 : i32
    %swap3A_108 = arith.index_cast %swap3A_107 : i32 to index
    %swap3A_109 = arith.constant 96 : index
    %swap3A_110 = tpu.vector_load %arg6[%swap3A_108, %swap3A_109] {strides = array<i32>} : memref<80x128xf32, #tpu.memory_space<vmem>>, vector<16xf32>,
    tpu.vector_store %arg6[%swap3A_108, %swap3A_109], %broadcast_in_dim3A_3 {strides = array<i32>} : memref<80x128xf32, #tpu.memory_space<vmem>>, vector<16xf32>,
    %swap3A_111 = arith.constant 2 : i32
    %swap3A_112 = arith.index_cast %swap3A_111 : i32 to index
    %swap3A_113 = arith.constant 112 : index
    %swap3A_114 = tpu.vector_load %arg6[%swap3A_112, %swap3A_113] {strides = array<i32>} : memref<80x128xf32, #tpu.memory_space<vmem>>, vector<16xf32>,
    tpu.vector_store %arg6[%swap3A_112, %swap3A_113], %broadcast_in_dim3A_3 {strides = array<i32>} : memref<80x128xf32, #tpu.memory_space<vmem>>, vector<16xf32>,
    %swap3A_115 = arith.constant 3 : i32
    %swap3A_116 = arith.index_cast %swap3A_115 : i32 to index
    %swap3A_117 = arith.constant 0 : index
    %swap3A_118 = tpu.vector_load %arg6[%swap3A_116, %swap3A_117] {strides = array<i32>} : memref<80x128xf32, #tpu.memory_space<vmem>>, vector<16xf32>,
    tpu.vector_store %arg6[%swap3A_116, %swap3A_117], %broadcast_in_dim3A_3 {strides = array<i32>} : memref<80x128xf32, #tpu.memory_space<vmem>>, vector<16xf32>,
    %swap3A_119 = arith.constant 3 : i32
    %swap3A_120 = arith.index_cast %swap3A_119 : i32 to index
    %swap3A_121 = arith.constant 16 : index
    %swap3A_122 = tpu.vector_load %arg6[%swap3A_120, %swap3A_121] {strides = array<i32>} : memref<80x128xf32, #tpu.memory_space<vmem>>, vector<16xf32>,
    tpu.vector_store %arg6[%swap3A_120, %swap3A_121], %broadcast_in_dim3A_3 {strides = array<i32>} : memref<80x128xf32, #tpu.memory_space<vmem>>, vector<16xf32>,
    %swap3A_123 = arith.constant 3 : i32
    %swap3A_124 = arith.index_cast %swap3A_123 : i32 to index
    %swap3A_125 = arith.constant 32 : index
    %swap3A_126 = tpu.vector_load %arg6[%swap3A_124, %swap3A_125] {strides = array<i32>} : memref<80x128xf32, #tpu.memory_space<vmem>>, vector<16xf32>,
    tpu.vector_store %arg6[%swap3A_124, %swap3A_125], %broadcast_in_dim3A_3 {strides = array<i32>} : memref<80x128xf32, #tpu.memory_space<vmem>>, vector<16xf32>,
    %swap3A_127 = arith.constant 3 : i32
    %swap3A_128 = arith.index_cast %swap3A_127 : i32 to index
    %swap3A_129 = arith.constant 48 : index
    %swap3A_130 = tpu.vector_load %arg6[%swap3A_128, %swap3A_129] {strides = array<i32>} : memref<80x128xf32, #tpu.memory_space<vmem>>, vector<16xf32>,
    tpu.vector_store %arg6[%swap3A_128, %swap3A_129], %broadcast_in_dim3A_3 {strides = array<i32>} : memref<80x128xf32, #tpu.memory_space<vmem>>, vector<16xf32>,
    %swap3A_131 = arith.constant 3 : i32
    %swap3A_132 = arith.index_cast %swap3A_131 : i32 to index
    %swap3A_133 = arith.constant 64 : index
    %swap3A_134 = tpu.vector_load %arg6[%swap3A_132, %swap3A_133] {strides = array<i32>} : memref<80x128xf32, #tpu.memory_space<vmem>>, vector<16xf32>,
    tpu.vector_store %arg6[%swap3A_132, %swap3A_133], %broadcast_in_dim3A_3 {strides = array<i32>} : memref<80x128xf32, #tpu.memory_space<vmem>>, vector<16xf32>,
    %swap3A_135 = arith.constant 3 : i32
    %swap3A_136 = arith.index_cast %swap3A_135 : i32 to index
    %swap3A_137 = arith.constant 80 : index
    %swap3A_138 = tpu.vector_load %arg6[%swap3A_136, %swap3A_137] {strides = array<i32>} : memref<80x128xf32, #tpu.memory_space<vmem>>, vector<16xf32>,
    tpu.vector_store %arg6[%swap3A_136, %swap3A_137], %broadcast_in_dim3A_3 {strides = array<i32>} : memref<80x128xf32, #tpu.memory_space<vmem>>, vector<16xf32>,
    %swap3A_139 = arith.constant 3 : i32
    %swap3A_140 = arith.index_cast %swap3A_139 : i32 to index
    %swap3A_141 = arith.constant 96 : index
    %swap3A_142 = tpu.vector_load %arg6[%swap3A_140, %swap3A_141] {strides = array<i32>} : memref<80x128xf32, #tpu.memory_space<vmem>>, vector<16xf32>,
    tpu.vector_store %arg6[%swap3A_140, %swap3A_141], %broadcast_in_dim3A_3 {strides = array<i32>} : memref<80x128xf32, #tpu.memory_space<vmem>>, vector<16xf32>,
    %swap3A_143 = arith.constant 3 : i32
    %swap3A_144 = arith.index_cast %swap3A_143 : i32 to index
    %swap3A_145 = arith.constant 112 : index
    %swap3A_146 = tpu.vector_load %arg6[%swap3A_144, %swap3A_145] {strides = array<i32>} : memref<80x128xf32, #tpu.memory_space<vmem>>, vector<16xf32>,
    tpu.vector_store %arg6[%swap3A_144, %swap3A_145], %broadcast_in_dim3A_3 {strides = array<i32>} : memref<80x128xf32, #tpu.memory_space<vmem>>, vector<16xf32>,
    %swap3A_147 = arith.constant 4 : i32
    %swap3A_148 = arith.index_cast %swap3A_147 : i32 to index
    %swap3A_149 = arith.constant 0 : index
    %swap3A_150 = tpu.vector_load %arg6[%swap3A_148, %swap3A_149] {strides = array<i32>} : memref<80x128xf32, #tpu.memory_space<vmem>>, vector<16xf32>,
    tpu.vector_store %arg6[%swap3A_148, %swap3A_149], %broadcast_in_dim3A_3 {strides = array<i32>} : memref<80x128xf32, #tpu.memory_space<vmem>>, vector<16xf32>,
    %swap3A_151 = arith.constant 4 : i32
    %swap3A_152 = arith.index_cast %swap3A_151 : i32 to index
    %swap3A_153 = arith.constant 16 : index
    %swap3A_154 = tpu.vector_load %arg6[%swap3A_152, %swap3A_153] {strides = array<i32>} : memref<80x128xf32, #tpu.memory_space<vmem>>, vector<16xf32>,
    tpu.vector_store %arg6[%swap3A_152, %swap3A_153], %broadcast_in_dim3A_3 {strides = array<i32>} : memref<80x128xf32, #tpu.memory_space<vmem>>, vector<16xf32>,
    %swap3A_155 = arith.constant 4 : i32
    %swap3A_156 = arith.index_cast %swap3A_155 : i32 to index
    %swap3A_157 = arith.constant 32 : index
    %swap3A_158 = tpu.vector_load %arg6[%swap3A_156, %swap3A_157] {strides = array<i32>} : memref<80x128xf32, #tpu.memory_space<vmem>>, vector<16xf32>,
    tpu.vector_store %arg6[%swap3A_156, %swap3A_157], %broadcast_in_dim3A_3 {strides = array<i32>} : memref<80x128xf32, #tpu.memory_space<vmem>>, vector<16xf32>,
    %swap3A_159 = arith.constant 4 : i32
    %swap3A_160 = arith.index_cast %swap3A_159 : i32 to index
    %swap3A_161 = arith.constant 48 : index
    %swap3A_162 = tpu.vector_load %arg6[%swap3A_160, %swap3A_161] {strides = array<i32>} : memref<80x128xf32, #tpu.memory_space<vmem>>, vector<16xf32>,
    tpu.vector_store %arg6[%swap3A_160, %swap3A_161], %broadcast_in_dim3A_3 {strides = array<i32>} : memref<80x128xf32, #tpu.memory_space<vmem>>, vector<16xf32>,
    %swap3A_163 = arith.constant 4 : i32
    %swap3A_164 = arith.index_cast %swap3A_163 : i32 to index
    %swap3A_165 = arith.constant 64 : index
    %swap3A_166 = tpu.vector_load %arg6[%swap3A_164, %swap3A_165] {strides = array<i32>} : memref<80x128xf32, #tpu.memory_space<vmem>>, vector<16xf32>,
    tpu.vector_store %arg6[%swap3A_164, %swap3A_165], %broadcast_in_dim3A_3 {strides = array<i32>} : memref<80x128xf32, #tpu.memory_space<vmem>>, vector<16xf32>,
    %swap3A_167 = arith.constant 4 : i32
    %swap3A_168 = arith.index_cast %swap3A_167 : i32 to index
    %swap3A_169 = arith.constant 80 : index
    %swap3A_170 = tpu.vector_load %arg6[%swap3A_168, %swap3A_169] {strides = array<i32>} : memref<80x128xf32, #tpu.memory_space<vmem>>, vector<16xf32>,
    tpu.vector_store %arg6[%swap3A_168, %swap3A_169], %broadcast_in_dim3A_3 {strides = array<i32>} : memref<80x128xf32, #tpu.memory_space<vmem>>, vector<16xf32>,
    %swap3A_171 = arith.constant 4 : i32
    %swap3A_172 = arith.index_cast %swap3A_171 : i32 to index
    %swap3A_173 = arith.constant 96 : index
    %swap3A_174 = tpu.vector_load %arg6[%swap3A_172, %swap3A_173] {strides = array<i32>} : memref<80x128xf32, #tpu.memory_space<vmem>>, vector<16xf32>,
    tpu.vector_store %arg6[%swap3A_172, %swap3A_173], %broadcast_in_dim3A_3 {strides = array<i32>} : memref<80x128xf32, #tpu.memory_space<vmem>>, vector<16xf32>,
    %swap3A_175 = arith.constant 4 : i32
    %swap3A_176 = arith.index_cast %swap3A_175 : i32 to index
    %swap3A_177 = arith.constant 112 : index
    %swap3A_178 = tpu.vector_load %arg6[%swap3A_176, %swap3A_177] {strides = array<i32>} : memref<80x128xf32, #tpu.memory_space<vmem>>, vector<16xf32>,
    tpu.vector_store %arg6[%swap3A_176, %swap3A_177], %broadcast_in_dim3A_3 {strides = array<i32>} : memref<80x128xf32, #tpu.memory_space<vmem>>, vector<16xf32>,
    %swap3A_179 = arith.constant 5 : i32
    %swap3A_180 = arith.index_cast %swap3A_179 : i32 to index
    %swap3A_181 = arith.constant 0 : index
    %swap3A_182 = tpu.vector_load %arg6[%swap3A_180, %swap3A_181] {strides = array<i32>} : memref<80x128xf32, #tpu.memory_space<vmem>>, vector<16xf32>,
    tpu.vector_store %arg6[%swap3A_180, %swap3A_181], %broadcast_in_dim3A_3 {strides = array<i32>} : memref<80x128xf32, #tpu.memory_space<vmem>>, vector<16xf32>,
    %swap3A_183 = arith.constant 5 : i32
    %swap3A_184 = arith.index_cast %swap3A_183 : i32 to index
    %swap3A_185 = arith.constant 16 : index
    %swap3A_186 = tpu.vector_load %arg6[%swap3A_184, %swap3A_185] {strides = array<i32>} : memref<80x128xf32, #tpu.memory_space<vmem>>, vector<16xf32>,
    tpu.vector_store %arg6[%swap3A_184, %swap3A_185], %broadcast_in_dim3A_3 {strides = array<i32>} : memref<80x128xf32, #tpu.memory_space<vmem>>, vector<16xf32>,
    %swap3A_187 = arith.constant 5 : i32
    %swap3A_188 = arith.index_cast %swap3A_187 : i32 to index
    %swap3A_189 = arith.constant 32 : index
    %swap3A_190 = tpu.vector_load %arg6[%swap3A_188, %swap3A_189] {strides = array<i32>} : memref<80x128xf32, #tpu.memory_space<vmem>>, vector<16xf32>,
    tpu.vector_store %arg6[%swap3A_188, %swap3A_189], %broadcast_in_dim3A_3 {strides = array<i32>} : memref<80x128xf32, #tpu.memory_space<vmem>>, vector<16xf32>,
    %swap3A_191 = arith.constant 5 : i32
    %swap3A_192 = arith.index_cast %swap3A_191 : i32 to index
    %swap3A_193 = arith.constant 48 : index
    %swap3A_194 = tpu.vector_load %arg6[%swap3A_192, %swap3A_193] {strides = array<i32>} : memref<80x128xf32, #tpu.memory_space<vmem>>, vector<16xf32>,
    tpu.vector_store %arg6[%swap3A_192, %swap3A_193], %broadcast_in_dim3A_3 {strides = array<i32>} : memref<80x128xf32, #tpu.memory_space<vmem>>, vector<16xf32>,
    %swap3A_195 = arith.constant 5 : i32
    %swap3A_196 = arith.index_cast %swap3A_195 : i32 to index
    %swap3A_197 = arith.constant 64 : index
    %swap3A_198 = tpu.vector_load %arg6[%swap3A_196, %swap3A_197] {strides = array<i32>} : memref<80x128xf32, #tpu.memory_space<vmem>>, vector<16xf32>,
    tpu.vector_store %arg6[%swap3A_196, %swap3A_197], %broadcast_in_dim3A_3 {strides = array<i32>} : memref<80x128xf32, #tpu.memory_space<vmem>>, vector<16xf32>,
    %swap3A_199 = arith.constant 5 : i32
    %swap3A_200 = arith.index_cast %swap3A_199 : i32 to index
    %swap3A_201 = arith.constant 80 : index
    %swap3A_202 = tpu.vector_load %arg6[%swap3A_200, %swap3A_201] {strides = array<i32>} : memref<80x128xf32, #tpu.memory_space<vmem>>, vector<16xf32>,
    tpu.vector_store %arg6[%swap3A_200, %swap3A_201], %broadcast_in_dim3A_3 {strides = array<i32>} : memref<80x128xf32, #tpu.memory_space<vmem>>, vector<16xf32>,
    %swap3A_203 = arith.constant 5 : i32
    %swap3A_204 = arith.index_cast %swap3A_203 : i32 to index
    %swap3A_205 = arith.constant 96 : index
    %swap3A_206 = tpu.vector_load %arg6[%swap3A_204, %swap3A_205] {strides = array<i32>} : memref<80x128xf32, #tpu.memory_space<vmem>>, vector<16xf32>,
    tpu.vector_store %arg6[%swap3A_204, %swap3A_205], %broadcast_in_dim3A_3 {strides = array<i32>} : memref<80x128xf32, #tpu.memory_space<vmem>>, vector<16xf32>,
    %swap3A_207 = arith.constant 5 : i32
    %swap3A_208 = arith.index_cast %swap3A_207 : i32 to index
    %swap3A_209 = arith.constant 112 : index
    %swap3A_210 = tpu.vector_load %arg6[%swap3A_208, %swap3A_209] {strides = array<i32>} : memref<80x128xf32, #tpu.memory_space<vmem>>, vector<16xf32>,
    tpu.vector_store %arg6[%swap3A_208, %swap3A_209], %broadcast_in_dim3A_3 {strides = array<i32>} : memref<80x128xf32, #tpu.memory_space<vmem>>, vector<16xf32>,
    %swap3A_211 = arith.constant 6 : i32
    %swap3A_212 = arith.index_cast %swap3A_211 : i32 to index
    %swap3A_213 = arith.constant 0 : index
    %swap3A_214 = tpu.vector_load %arg6[%swap3A_212, %swap3A_213] {strides = array<i32>} : memref<80x128xf32, #tpu.memory_space<vmem>>, vector<16xf32>,
    tpu.vector_store %arg6[%swap3A_212, %swap3A_213], %broadcast_in_dim3A_3 {strides = array<i32>} : memref<80x128xf32, #tpu.memory_space<vmem>>, vector<16xf32>,
    %swap3A_215 = arith.constant 6 : i32
    %swap3A_216 = arith.index_cast %swap3A_215 : i32 to index
    %swap3A_217 = arith.constant 16 : index
    %swap3A_218 = tpu.vector_load %arg6[%swap3A_216, %swap3A_217] {strides = array<i32>} : memref<80x128xf32, #tpu.memory_space<vmem>>, vector<16xf32>,
    tpu.vector_store %arg6[%swap3A_216, %swap3A_217], %broadcast_in_dim3A_3 {strides = array<i32>} : memref<80x128xf32, #tpu.memory_space<vmem>>, vector<16xf32>,
    %swap3A_219 = arith.constant 6 : i32
    %swap3A_220 = arith.index_cast %swap3A_219 : i32 to index
    %swap3A_221 = arith.constant 32 : index
    %swap3A_222 = tpu.vector_load %arg6[%swap3A_220, %swap3A_221] {strides = array<i32>} : memref<80x128xf32, #tpu.memory_space<vmem>>, vector<16xf32>,
    tpu.vector_store %arg6[%swap3A_220, %swap3A_221], %broadcast_in_dim3A_3 {strides = array<i32>} : memref<80x128xf32, #tpu.memory_space<vmem>>, vector<16xf32>,
    %swap3A_223 = arith.constant 6 : i32
    %swap3A_224 = arith.index_cast %swap3A_223 : i32 to index
    %swap3A_225 = arith.constant 48 : index
    %swap3A_226 = tpu.vector_load %arg6[%swap3A_224, %swap3A_225] {strides = array<i32>} : memref<80x128xf32, #tpu.memory_space<vmem>>, vector<16xf32>,
    tpu.vector_store %arg6[%swap3A_224, %swap3A_225], %broadcast_in_dim3A_3 {strides = array<i32>} : memref<80x128xf32, #tpu.memory_space<vmem>>, vector<16xf32>,
    %swap3A_227 = arith.constant 6 : i32
    %swap3A_228 = arith.index_cast %swap3A_227 : i32 to index
    %swap3A_229 = arith.constant 64 : index
    %swap3A_230 = tpu.vector_load %arg6[%swap3A_228, %swap3A_229] {strides = array<i32>} : memref<80x128xf32, #tpu.memory_space<vmem>>, vector<16xf32>,
    tpu.vector_store %arg6[%swap3A_228, %swap3A_229], %broadcast_in_dim3A_3 {strides = array<i32>} : memref<80x128xf32, #tpu.memory_space<vmem>>, vector<16xf32>,
    %swap3A_231 = arith.constant 6 : i32
    %swap3A_232 = arith.index_cast %swap3A_231 : i32 to index
    %swap3A_233 = arith.constant 80 : index
    %swap3A_234 = tpu.vector_load %arg6[%swap3A_232, %swap3A_233] {strides = array<i32>} : memref<80x128xf32, #tpu.memory_space<vmem>>, vector<16xf32>,
    tpu.vector_store %arg6[%swap3A_232, %swap3A_233], %broadcast_in_dim3A_3 {strides = array<i32>} : memref<80x128xf32, #tpu.memory_space<vmem>>, vector<16xf32>,
    %swap3A_235 = arith.constant 6 : i32
    %swap3A_236 = arith.index_cast %swap3A_235 : i32 to index
    %swap3A_237 = arith.constant 96 : index
    %swap3A_238 = tpu.vector_load %arg6[%swap3A_236, %swap3A_237] {strides = array<i32>} : memref<80x128xf32, #tpu.memory_space<vmem>>, vector<16xf32>,
    tpu.vector_store %arg6[%swap3A_236, %swap3A_237], %broadcast_in_dim3A_3 {strides = array<i32>} : memref<80x128xf32, #tpu.memory_space<vmem>>, vector<16xf32>,
    %swap3A_239 = arith.constant 6 : i32
    %swap3A_240 = arith.index_cast %swap3A_239 : i32 to index
    %swap3A_241 = arith.constant 112 : index
    %swap3A_242 = tpu.vector_load %arg6[%swap3A_240, %swap3A_241] {strides = array<i32>} : memref<80x128xf32, #tpu.memory_space<vmem>>, vector<16xf32>,
    tpu.vector_store %arg6[%swap3A_240, %swap3A_241], %broadcast_in_dim3A_3 {strides = array<i32>} : memref<80x128xf32, #tpu.memory_space<vmem>>, vector<16xf32>,
    %swap3A_243 = arith.constant 7 : i32
    %swap3A_244 = arith.index_cast %swap3A_243 : i32 to index
    %swap3A_245 = arith.constant 0 : index
    %swap3A_246 = tpu.vector_load %arg6[%swap3A_244, %swap3A_245] {strides = array<i32>} : memref<80x128xf32, #tpu.memory_space<vmem>>, vector<16xf32>,
    tpu.vector_store %arg6[%swap3A_244, %swap3A_245], %broadcast_in_dim3A_3 {strides = array<i32>} : memref<80x128xf32, #tpu.memory_space<vmem>>, vector<16xf32>,
    %swap3A_247 = arith.constant 7 : i32
    %swap3A_248 = arith.index_cast %swap3A_247 : i32 to index
    %swap3A_249 = arith.constant 16 : index
    %swap3A_250 = tpu.vector_load %arg6[%swap3A_248, %swap3A_249] {strides = array<i32>} : memref<80x128xf32, #tpu.memory_space<vmem>>, vector<16xf32>,
    tpu.vector_store %arg6[%swap3A_248, %swap3A_249], %broadcast_in_dim3A_3 {strides = array<i32>} : memref<80x128xf32, #tpu.memory_space<vmem>>, vector<16xf32>,
    %swap3A_251 = arith.constant 7 : i32
    %swap3A_252 = arith.index_cast %swap3A_251 : i32 to index
    %swap3A_253 = arith.constant 32 : index
    %swap3A_254 = tpu.vector_load %arg6[%swap3A_252, %swap3A_253] {strides = array<i32>} : memref<80x128xf32, #tpu.memory_space<vmem>>, vector<16xf32>,
    tpu.vector_store %arg6[%swap3A_252, %swap3A_253], %broadcast_in_dim3A_3 {strides = array<i32>} : memref<80x128xf32, #tpu.memory_space<vmem>>, vector<16xf32>,
    %swap3A_255 = arith.constant 7 : i32
    %swap3A_256 = arith.index_cast %swap3A_255 : i32 to index
    %swap3A_257 = arith.constant 48 : index
    %swap3A_258 = tpu.vector_load %arg6[%swap3A_256, %swap3A_257] {strides = array<i32>} : memref<80x128xf32, #tpu.memory_space<vmem>>, vector<16xf32>,
    tpu.vector_store %arg6[%swap3A_256, %swap3A_257], %broadcast_in_dim3A_3 {strides = array<i32>} : memref<80x128xf32, #tpu.memory_space<vmem>>, vector<16xf32>,
    %swap3A_259 = arith.constant 7 : i32
    %swap3A_260 = arith.index_cast %swap3A_259 : i32 to index
    %swap3A_261 = arith.constant 64 : index
    %swap3A_262 = tpu.vector_load %arg6[%swap3A_260, %swap3A_261] {strides = array<i32>} : memref<80x128xf32, #tpu.memory_space<vmem>>, vector<16xf32>,
    tpu.vector_store %arg6[%swap3A_260, %swap3A_261], %broadcast_in_dim3A_3 {strides = array<i32>} : memref<80x128xf32, #tpu.memory_space<vmem>>, vector<16xf32>,
    %swap3A_263 = arith.constant 7 : i32
    %swap3A_264 = arith.index_cast %swap3A_263 : i32 to index
    %swap3A_265 = arith.constant 80 : index
    %swap3A_266 = tpu.vector_load %arg6[%swap3A_264, %swap3A_265] {strides = array<i32>} : memref<80x128xf32, #tpu.memory_space<vmem>>, vector<16xf32>,
    tpu.vector_store %arg6[%swap3A_264, %swap3A_265], %broadcast_in_dim3A_3 {strides = array<i32>} : memref<80x128xf32, #tpu.memory_space<vmem>>, vector<16xf32>,
    %swap3A_267 = arith.constant 7 : i32
    %swap3A_268 = arith.index_cast %swap3A_267 : i32 to index
    %swap3A_269 = arith.constant 96 : index
    %swap3A_270 = tpu.vector_load %arg6[%swap3A_268, %swap3A_269] {strides = array<i32>} : memref<80x128xf32, #tpu.memory_space<vmem>>, vector<16xf32>,
    tpu.vector_store %arg6[%swap3A_268, %swap3A_269], %broadcast_in_dim3A_3 {strides = array<i32>} : memref<80x128xf32, #tpu.memory_space<vmem>>, vector<16xf32>,
    %swap3A_271 = arith.constant 7 : i32
    %swap3A_272 = arith.index_cast %swap3A_271 : i32 to index
    %swap3A_273 = arith.constant 112 : index
    %swap3A_274 = tpu.vector_load %arg6[%swap3A_272, %swap3A_273] {strides = array<i32>} : memref<80x128xf32, #tpu.memory_space<vmem>>, vector<16xf32>,
    tpu.vector_store %arg6[%swap3A_272, %swap3A_273], %broadcast_in_dim3A_3 {strides = array<i32>} : memref<80x128xf32, #tpu.memory_space<vmem>>, vector<16xf32>,
    %mul3A_275 = arith.constant 8 : i32
    %mul3A_276 = arith.muli %arg1, %mul3A_275 : i32
    "tpu.region"() ({
      %run_scoped3A = tpu.sem_alloc : memref<!tpu.dma_semaphore, #tpu.memory_space<semaphore_mem>>
      %dma_start3A_302 = arith.constant 0 : i32
      %dma_start3A_303 = arith.constant 0 : i32
      %dma_start3A_304 = tpu.memref_slice %arg6[%dma_start3A_302, %dma_start3A_303] : memref<80x128xf32, #tpu.memory_space<vmem>> -> memref<8x128xf32, #tpu.memory_space<vmem>>
      %dma_start3A_305 = arith.constant 0 : i32
      %dma_start3A_306 = tpu.memref_slice %arg10[%mul3A_276, %dma_start3A_305] : memref<128x128xf32, #tpu.memory_space<vmem_shared>> -> memref<8x128xf32, #tpu.memory_space<vmem_shared>>
      %dma_start3A_307 = arith.constant 0 : i32
      %dma_start3A_308 = tpu.memref_slice %arg10[%mul3A_276, %dma_start3A_307] : memref<128x128xf32, #tpu.memory_space<vmem_shared>> -> memref<8x128xf32, #tpu.memory_space<vmem_shared>>
      %dma_start3A_309 = arith.constant 0 : i32
      %dma_start3A_310 = arith.constant 0 : i32
      %dma_start3A_311 = tpu.memref_slice %arg6[%dma_start3A_309, %dma_start3A_310] : memref<80x128xf32, #tpu.memory_space<vmem>> -> memref<8x128xf32, #tpu.memory_space<vmem>>
      tpu.enqueue_dma source(%dma_start3A_311 : memref<8x128xf32, #tpu.memory_space<vmem>>) target(%dma_start3A_308 : memref<8x128xf32, #tpu.memory_space<vmem_shared>>) target_semaphore(%run_scoped3A : memref<!tpu.dma_semaphore, #tpu.memory_space<semaphore_mem>>)
      %dma_wait3A = arith.constant 0 : i32
      %dma_wait3A_312 = arith.constant 0 : i32
      %dma_wait3A_313 = tpu.memref_slice %arg6[%dma_wait3A, %dma_wait3A_312] : memref<80x128xf32, #tpu.memory_space<vmem>> -> memref<8x128xf32, #tpu.memory_space<vmem>>
      %dma_wait3A_314 = arith.constant 0 : i32
      %dma_wait3A_315 = tpu.memref_slice %arg10[%mul3A_276, %dma_wait3A_314] : memref<128x128xf32, #tpu.memory_space<vmem_shared>> -> memref<8x128xf32, #tpu.memory_space<vmem_shared>>
      %dma_wait3A_316 = arith.constant 0 : i32
      %dma_wait3A_317 = tpu.memref_slice %arg10[%mul3A_276, %dma_wait3A_316] : memref<128x128xf32, #tpu.memory_space<vmem_shared>> -> memref<8x128xf32, #tpu.memory_space<vmem_shared>>
      %dma_wait3A_318 = arith.constant 0 : i32
      %dma_wait3A_319 = arith.constant 0 : i32
      %dma_wait3A_320 = tpu.memref_slice %arg6[%dma_wait3A_318, %dma_wait3A_319] : memref<80x128xf32, #tpu.memory_space<vmem>> -> memref<8x128xf32, #tpu.memory_space<vmem>>
      tpu.wait_dma2 semaphore(%run_scoped3A : memref<!tpu.dma_semaphore, #tpu.memory_space<semaphore_mem>>) src(%dma_wait3A_320 : memref<8x128xf32, #tpu.memory_space<vmem>>) dst(%dma_wait3A_317 : memref<8x128xf32, #tpu.memory_space<vmem_shared>>)
      tpu.yield
    }) : () -> ()
    %add3A_277 = arith.constant 0 : i32
    %add3A_278 = arith.addi %mul3A_2, %add3A_277 : i32
    %mul3A_279 = arith.constant 80 : i32
    %mul3A_280 = arith.muli %add3A_278, %mul3A_279 : i32
    %dma_start3A = arith.constant 0 : i32
    %dma_start3A_281 = tpu.memref_slice %arg2[%mul3A_280, %dma_start3A] : memref<100000x128xf32, #tpu.memory_space<hbm>> -> memref<80x128xf32, #tpu.memory_space<hbm>>
    %dma_start3A_282 = arith.constant 0 : i32
    %dma_start3A_283 = tpu.memref_slice %arg2[%mul3A_280, %dma_start3A_282] : memref<100000x128xf32, #tpu.memory_space<hbm>> -> memref<80x128xf32, #tpu.memory_space<hbm>>
    tpu.enqueue_dma source(%dma_start3A_283 : memref<80x128xf32, #tpu.memory_space<hbm>>) target(%arg6 : memref<80x128xf32, #tpu.memory_space<vmem>>) target_semaphore(%arg11 : memref<!tpu.dma_semaphore, #tpu.memory_space<semaphore_mem>>)
    %add3A_284 = arith.constant 1 : i32
    %add3A_285 = arith.addi %mul3A_2, %add3A_284 : i32
    %mul3A_286 = arith.constant 80 : i32
    %mul3A_287 = arith.muli %add3A_285, %mul3A_286 : i32
    %dma_start3A_288 = arith.constant 0 : i32
    %dma_start3A_289 = tpu.memref_slice %arg2[%mul3A_287, %dma_start3A_288] : memref<100000x128xf32, #tpu.memory_space<hbm>> -> memref<80x128xf32, #tpu.memory_space<hbm>>
    %dma_start3A_290 = arith.constant 0 : i32
    %dma_start3A_291 = tpu.memref_slice %arg2[%mul3A_287, %dma_start3A_290] : memref<100000x128xf32, #tpu.memory_space<hbm>> -> memref<80x128xf32, #tpu.memory_space<hbm>>
    tpu.enqueue_dma source(%dma_start3A_291 : memref<80x128xf32, #tpu.memory_space<hbm>>) target(%arg7 : memref<80x128xf32, #tpu.memory_space<vmem>>) target_semaphore(%arg12 : memref<!tpu.dma_semaphore, #tpu.memory_space<semaphore_mem>>)
    "tpu.region"() ({
      %run_scoped3A = tpu.sem_alloc : memref<!tpu.dma_semaphore, #tpu.memory_space<semaphore_mem>>
      %dma_start3A_302 = arith.constant 0 : i32
      %dma_start3A_303 = tpu.memref_slice %arg3[%mul3A_2, %dma_start3A_302] : memref<1250x80xi32, #tpu.memory_space<hbm>> -> memref<20x80xi32, #tpu.memory_space<hbm>>
      %dma_start3A_304 = arith.constant 0 : i32
      %dma_start3A_305 = tpu.memref_slice %arg3[%mul3A_2, %dma_start3A_304] : memref<1250x80xi32, #tpu.memory_space<hbm>> -> memref<20x80xi32, #tpu.memory_space<hbm>>
      tpu.enqueue_dma source(%dma_start3A_305 : memref<20x80xi32, #tpu.memory_space<hbm>>) target(%arg8 : memref<20x80xi32, #tpu.memory_space<vmem>>) target_semaphore(%run_scoped3A : memref<!tpu.dma_semaphore, #tpu.memory_space<semaphore_mem>>)
      %dma_wait3A = arith.constant 0 : i32
      %dma_wait3A_306 = tpu.memref_slice %arg3[%mul3A_2, %dma_wait3A] : memref<1250x80xi32, #tpu.memory_space<hbm>> -> memref<20x80xi32, #tpu.memory_space<hbm>>
      %dma_wait3A_307 = arith.constant 0 : i32
      %dma_wait3A_308 = tpu.memref_slice %arg3[%mul3A_2, %dma_wait3A_307] : memref<1250x80xi32, #tpu.memory_space<hbm>> -> memref<20x80xi32, #tpu.memory_space<hbm>>
      tpu.wait_dma2 semaphore(%run_scoped3A : memref<!tpu.dma_semaphore, #tpu.memory_space<semaphore_mem>>) src(%dma_wait3A_308 : memref<20x80xi32, #tpu.memory_space<hbm>>) dst(%arg8 : memref<20x80xi32, #tpu.memory_space<vmem>>)
      tpu.yield
    }) : () -> ()
    %barrier3A = arith.constant 0 : index
    tpu.barrier barrier_id(%barrier3A)
    %broadcast_in_dim3A_292 = arith.constant 1.000000e+00 : f32
    %broadcast_in_dim3A_293 = vector.broadcast %broadcast_in_dim3A_292 : f32 to vector<16xf32>
    %scan3A = arith.constant 0 : i32
    %scan3A_294 = arith.constant 0 : i32
    %scan3A_295 = arith.constant 10 : i32
    %scan3A_296 = arith.addi %scan3A_294, %scan3A_295 : i32
    %scan3A_297 = arith.constant 1 : i32
    scf.for %scan3A_302 = %scan3A_294 to %scan3A_296 step %scan3A_297  : i32 {
      %mul3A_303 = arith.constant 2 : i32
      %mul3A_304 = arith.muli %mul3A_303, %scan3A_302 : i32
      %mul3A_305 = arith.constant 2 : i32
      %mul3A_306 = arith.muli %mul3A_305, %scan3A_302 : i32
      %add3A_307 = arith.constant 1 : i32
      %add3A_308 = arith.addi %mul3A_306, %add3A_307 : i32
      %add3A_309 = arith.addi %mul3A_2, %mul3A_304 : i32
      %mul3A_310 = arith.constant 80 : i32
      %mul3A_311 = arith.muli %add3A_309, %mul3A_310 : i32
      %dma_wait3A = arith.constant 0 : i32
      %dma_wait3A_312 = tpu.memref_slice %arg2[%mul3A_311, %dma_wait3A] : memref<100000x128xf32, #tpu.memory_space<hbm>> -> memref<80x128xf32, #tpu.memory_space<hbm>>
      %dma_wait3A_313 = arith.constant 0 : i32
      %dma_wait3A_314 = tpu.memref_slice %arg2[%mul3A_311, %dma_wait3A_313] : memref<100000x128xf32, #tpu.memory_space<hbm>> -> memref<80x128xf32, #tpu.memory_space<hbm>>
      tpu.wait_dma2 semaphore(%arg11 : memref<!tpu.dma_semaphore, #tpu.memory_space<semaphore_mem>>) src(%dma_wait3A_314 : memref<80x128xf32, #tpu.memory_space<hbm>>) dst(%arg6 : memref<80x128xf32, #tpu.memory_space<vmem>>)
      %get3A = arith.index_cast %mul3A_304 : i32 to index
      %get3A_315 = arith.constant 0 : index
      %get3A_316 = tpu.vector_load %arg8[%get3A, %get3A_315] {strides = array<i32>} : memref<20x80xi32, #tpu.memory_space<vmem>>, vector<16xi32>,
      tpu.vector_store_idx %arg9[%get3A_316], %broadcast_in_dim3A_293 {add = true} : memref<128xf32, #tpu.memory_space<vmem>>[vector<16xi32>], vector<16xf32>,
      %get3A_317 = arith.index_cast %mul3A_304 : i32 to index
      %get3A_318 = arith.constant 16 : index
      %get3A_319 = tpu.vector_load %arg8[%get3A_317, %get3A_318] {strides = array<i32>} : memref<20x80xi32, #tpu.memory_space<vmem>>, vector<16xi32>,
      tpu.vector_store_idx %arg9[%get3A_319], %broadcast_in_dim3A_293 {add = true} : memref<128xf32, #tpu.memory_space<vmem>>[vector<16xi32>], vector<16xf32>,
      %get3A_320 = arith.index_cast %mul3A_304 : i32 to index
      %get3A_321 = arith.constant 32 : index
      %get3A_322 = tpu.vector_load %arg8[%get3A_320, %get3A_321] {strides = array<i32>} : memref<20x80xi32, #tpu.memory_space<vmem>>, vector<16xi32>,
      tpu.vector_store_idx %arg9[%get3A_322], %broadcast_in_dim3A_293 {add = true} : memref<128xf32, #tpu.memory_space<vmem>>[vector<16xi32>], vector<16xf32>,
      %get3A_323 = arith.index_cast %mul3A_304 : i32 to index
      %get3A_324 = arith.constant 48 : index
      %get3A_325 = tpu.vector_load %arg8[%get3A_323, %get3A_324] {strides = array<i32>} : memref<20x80xi32, #tpu.memory_space<vmem>>, vector<16xi32>,
      tpu.vector_store_idx %arg9[%get3A_325], %broadcast_in_dim3A_293 {add = true} : memref<128xf32, #tpu.memory_space<vmem>>[vector<16xi32>], vector<16xf32>,
      %get3A_326 = arith.index_cast %mul3A_304 : i32 to index
      %get3A_327 = arith.constant 64 : index
      %get3A_328 = tpu.vector_load %arg8[%get3A_326, %get3A_327] {strides = array<i32>} : memref<20x80xi32, #tpu.memory_space<vmem>>, vector<16xi32>,
      tpu.vector_store_idx %arg9[%get3A_328], %broadcast_in_dim3A_293 {add = true} : memref<128xf32, #tpu.memory_space<vmem>>[vector<16xi32>], vector<16xf32>,
      "tpu.region"() ({
        %run_scoped3A = tpu.sem_alloc : memref<!tpu.dma_semaphore, #tpu.memory_space<semaphore_mem>>
        %dma_start3A_364 = arith.constant 0 : i32
        %dma_start3A_365 = tpu.memref_slice %arg8[%mul3A_304, %dma_start3A_364] : memref<20x80xi32, #tpu.memory_space<vmem>> -> memref<1x80xi32, #tpu.memory_space<vmem>>
        %dma_start3A_366 = tpu.memref_squeeze %dma_start3A_365 : memref<1x80xi32, #tpu.memory_space<vmem>> -> memref<80xi32, #tpu.memory_space<vmem>>
        %dma_start3A_367 = arith.constant 0 : i32
        %dma_start3A_368 = arith.constant 0 : i32
        %dma_start3A_369 = tpu.memref_slice %arg10[%dma_start3A_367, %dma_start3A_368] : memref<128x128xf32, #tpu.memory_space<vmem_shared>> -> memref<128x128xf32, #tpu.memory_space<vmem_shared>>
        tpu.enqueue_indirect_dma source(%arg6 : memref<80x128xf32, #tpu.memory_space<vmem>>) target(%dma_start3A_369 : memref<128x128xf32, #tpu.memory_space<vmem_shared>>) offsets(%dma_start3A_366 : memref<80xi32, #tpu.memory_space<vmem>>) semaphore(%run_scoped3A : memref<!tpu.dma_semaphore, #tpu.memory_space<semaphore_mem>>) {add = true}
        %dma_wait3A_370 = arith.constant 0 : i32
        %dma_wait3A_371 = tpu.memref_slice %arg8[%mul3A_304, %dma_wait3A_370] : memref<20x80xi32, #tpu.memory_space<vmem>> -> memref<1x80xi32, #tpu.memory_space<vmem>>
        %dma_wait3A_372 = tpu.memref_squeeze %dma_wait3A_371 : memref<1x80xi32, #tpu.memory_space<vmem>> -> memref<80xi32, #tpu.memory_space<vmem>>
        %dma_wait3A_373 = arith.constant 0 : i32
        %dma_wait3A_374 = arith.constant 0 : i32
        %dma_wait3A_375 = tpu.memref_slice %arg10[%dma_wait3A_373, %dma_wait3A_374] : memref<128x128xf32, #tpu.memory_space<vmem_shared>> -> memref<128x128xf32, #tpu.memory_space<vmem_shared>>
        tpu.wait_indirect_dma semaphore(%run_scoped3A : memref<!tpu.dma_semaphore, #tpu.memory_space<semaphore_mem>>) src(%arg6 : memref<80x128xf32, #tpu.memory_space<vmem>>) dst(%dma_wait3A_375 : memref<128x128xf32, #tpu.memory_space<vmem_shared>>)
        tpu.yield
      }) : () -> ()
      %add3A_329 = arith.constant 2 : i32
      %add3A_330 = arith.addi %mul3A_304, %add3A_329 : i32
      %lt3A = arith.constant 20 : i32
      %lt3A_331 = arith.cmpi slt, %add3A_330, %lt3A : i32
      %convert_element_type3A_332 = arith.extui %lt3A_331 : i1 to i32
      %cond3A_333 = arith.constant 0 : i32
      %cond3A_334 = arith.cmpi ne, %convert_element_type3A_332, %cond3A_333 : i32
      scf.if %cond3A_334 {
        %add3A_364 = arith.constant 2 : i32
        %add3A_365 = arith.addi %mul3A_304, %add3A_364 : i32
        %add3A_366 = arith.addi %mul3A_2, %add3A_365 : i32
        %mul3A_367 = arith.constant 80 : i32
        %mul3A_368 = arith.muli %add3A_366, %mul3A_367 : i32
        %dma_start3A_369 = arith.constant 0 : i32
        %dma_start3A_370 = tpu.memref_slice %arg2[%mul3A_368, %dma_start3A_369] : memref<100000x128xf32, #tpu.memory_space<hbm>> -> memref<80x128xf32, #tpu.memory_space<hbm>>
        %dma_start3A_371 = arith.constant 0 : i32
        %dma_start3A_372 = tpu.memref_slice %arg2[%mul3A_368, %dma_start3A_371] : memref<100000x128xf32, #tpu.memory_space<hbm>> -> memref<80x128xf32, #tpu.memory_space<hbm>>
        tpu.enqueue_dma source(%dma_start3A_372 : memref<80x128xf32, #tpu.memory_space<hbm>>) target(%arg6 : memref<80x128xf32, #tpu.memory_space<vmem>>) target_semaphore(%arg11 : memref<!tpu.dma_semaphore, #tpu.memory_space<semaphore_mem>>)
      } else {
      }
      %add3A_335 = arith.addi %mul3A_2, %add3A_308 : i32
      %mul3A_336 = arith.constant 80 : i32
      %mul3A_337 = arith.muli %add3A_335, %mul3A_336 : i32
      %dma_wait3A_338 = arith.constant 0 : i32
      %dma_wait3A_339 = tpu.memref_slice %arg2[%mul3A_337, %dma_wait3A_338] : memref<100000x128xf32, #tpu.memory_space<hbm>> -> memref<80x128xf32, #tpu.memory_space<hbm>>
      %dma_wait3A_340 = arith.constant 0 : i32
      %dma_wait3A_341 = tpu.memref_slice %arg2[%mul3A_337, %dma_wait3A_340] : memref<100000x128xf32, #tpu.memory_space<hbm>> -> memref<80x128xf32, #tpu.memory_space<hbm>>
      tpu.wait_dma2 semaphore(%arg12 : memref<!tpu.dma_semaphore, #tpu.memory_space<semaphore_mem>>) src(%dma_wait3A_341 : memref<80x128xf32, #tpu.memory_space<hbm>>) dst(%arg7 : memref<80x128xf32, #tpu.memory_space<vmem>>)
      %get3A_342 = arith.index_cast %add3A_308 : i32 to index
      %get3A_343 = arith.constant 0 : index
      %get3A_344 = tpu.vector_load %arg8[%get3A_342, %get3A_343] {strides = array<i32>} : memref<20x80xi32, #tpu.memory_space<vmem>>, vector<16xi32>,
      tpu.vector_store_idx %arg9[%get3A_344], %broadcast_in_dim3A_293 {add = true} : memref<128xf32, #tpu.memory_space<vmem>>[vector<16xi32>], vector<16xf32>,
      %get3A_345 = arith.index_cast %add3A_308 : i32 to index
      %get3A_346 = arith.constant 16 : index
      %get3A_347 = tpu.vector_load %arg8[%get3A_345, %get3A_346] {strides = array<i32>} : memref<20x80xi32, #tpu.memory_space<vmem>>, vector<16xi32>,
      tpu.vector_store_idx %arg9[%get3A_347], %broadcast_in_dim3A_293 {add = true} : memref<128xf32, #tpu.memory_space<vmem>>[vector<16xi32>], vector<16xf32>,
      %get3A_348 = arith.index_cast %add3A_308 : i32 to index
      %get3A_349 = arith.constant 32 : index
      %get3A_350 = tpu.vector_load %arg8[%get3A_348, %get3A_349] {strides = array<i32>} : memref<20x80xi32, #tpu.memory_space<vmem>>, vector<16xi32>,
      tpu.vector_store_idx %arg9[%get3A_350], %broadcast_in_dim3A_293 {add = true} : memref<128xf32, #tpu.memory_space<vmem>>[vector<16xi32>], vector<16xf32>,
      %get3A_351 = arith.index_cast %add3A_308 : i32 to index
      %get3A_352 = arith.constant 48 : index
      %get3A_353 = tpu.vector_load %arg8[%get3A_351, %get3A_352] {strides = array<i32>} : memref<20x80xi32, #tpu.memory_space<vmem>>, vector<16xi32>,
      tpu.vector_store_idx %arg9[%get3A_353], %broadcast_in_dim3A_293 {add = true} : memref<128xf32, #tpu.memory_space<vmem>>[vector<16xi32>], vector<16xf32>,
      %get3A_354 = arith.index_cast %add3A_308 : i32 to index
      %get3A_355 = arith.constant 64 : index
      %get3A_356 = tpu.vector_load %arg8[%get3A_354, %get3A_355] {strides = array<i32>} : memref<20x80xi32, #tpu.memory_space<vmem>>, vector<16xi32>,
      tpu.vector_store_idx %arg9[%get3A_356], %broadcast_in_dim3A_293 {add = true} : memref<128xf32, #tpu.memory_space<vmem>>[vector<16xi32>], vector<16xf32>,
      "tpu.region"() ({
        %run_scoped3A = tpu.sem_alloc : memref<!tpu.dma_semaphore, #tpu.memory_space<semaphore_mem>>
        %dma_start3A_364 = arith.constant 0 : i32
        %dma_start3A_365 = tpu.memref_slice %arg8[%add3A_308, %dma_start3A_364] : memref<20x80xi32, #tpu.memory_space<vmem>> -> memref<1x80xi32, #tpu.memory_space<vmem>>
        %dma_start3A_366 = tpu.memref_squeeze %dma_start3A_365 : memref<1x80xi32, #tpu.memory_space<vmem>> -> memref<80xi32, #tpu.memory_space<vmem>>
        %dma_start3A_367 = arith.constant 0 : i32
        %dma_start3A_368 = arith.constant 0 : i32
        %dma_start3A_369 = tpu.memref_slice %arg10[%dma_start3A_367, %dma_start3A_368] : memref<128x128xf32, #tpu.memory_space<vmem_shared>> -> memref<128x128xf32, #tpu.memory_space<vmem_shared>>
        tpu.enqueue_indirect_dma source(%arg7 : memref<80x128xf32, #tpu.memory_space<vmem>>) target(%dma_start3A_369 : memref<128x128xf32, #tpu.memory_space<vmem_shared>>) offsets(%dma_start3A_366 : memref<80xi32, #tpu.memory_space<vmem>>) semaphore(%run_scoped3A : memref<!tpu.dma_semaphore, #tpu.memory_space<semaphore_mem>>) {add = true}
        %dma_wait3A_370 = arith.constant 0 : i32
        %dma_wait3A_371 = tpu.memref_slice %arg8[%add3A_308, %dma_wait3A_370] : memref<20x80xi32, #tpu.memory_space<vmem>> -> memref<1x80xi32, #tpu.memory_space<vmem>>
        %dma_wait3A_372 = tpu.memref_squeeze %dma_wait3A_371 : memref<1x80xi32, #tpu.memory_space<vmem>> -> memref<80xi32, #tpu.memory_space<vmem>>
        %dma_wait3A_373 = arith.constant 0 : i32
        %dma_wait3A_374 = arith.constant 0 : i32
        %dma_wait3A_375 = tpu.memref_slice %arg10[%dma_wait3A_373, %dma_wait3A_374] : memref<128x128xf32, #tpu.memory_space<vmem_shared>> -> memref<128x128xf32, #tpu.memory_space<vmem_shared>>
        tpu.wait_indirect_dma semaphore(%run_scoped3A : memref<!tpu.dma_semaphore, #tpu.memory_space<semaphore_mem>>) src(%arg7 : memref<80x128xf32, #tpu.memory_space<vmem>>) dst(%dma_wait3A_375 : memref<128x128xf32, #tpu.memory_space<vmem_shared>>)
        tpu.yield
      }) : () -> ()
      %add3A_357 = arith.constant 2 : i32
      %add3A_358 = arith.addi %add3A_308, %add3A_357 : i32
      %lt3A_359 = arith.constant 20 : i32
      %lt3A_360 = arith.cmpi slt, %add3A_358, %lt3A_359 : i32
      %convert_element_type3A_361 = arith.extui %lt3A_360 : i1 to i32
      %cond3A_362 = arith.constant 0 : i32
      %cond3A_363 = arith.cmpi ne, %convert_element_type3A_361, %cond3A_362 : i32
      scf.if %cond3A_363 {
        %add3A_364 = arith.constant 2 : i32
        %add3A_365 = arith.addi %add3A_308, %add3A_364 : i32
        %add3A_366 = arith.addi %mul3A_2, %add3A_365 : i32
        %mul3A_367 = arith.constant 80 : i32
        %mul3A_368 = arith.muli %add3A_366, %mul3A_367 : i32
        %dma_start3A_369 = arith.constant 0 : i32
        %dma_start3A_370 = tpu.memref_slice %arg2[%mul3A_368, %dma_start3A_369] : memref<100000x128xf32, #tpu.memory_space<hbm>> -> memref<80x128xf32, #tpu.memory_space<hbm>>
        %dma_start3A_371 = arith.constant 0 : i32
        %dma_start3A_372 = tpu.memref_slice %arg2[%mul3A_368, %dma_start3A_371] : memref<100000x128xf32, #tpu.memory_space<hbm>> -> memref<80x128xf32, #tpu.memory_space<hbm>>
        tpu.enqueue_dma source(%dma_start3A_372 : memref<80x128xf32, #tpu.memory_space<hbm>>) target(%arg7 : memref<80x128xf32, #tpu.memory_space<vmem>>) target_semaphore(%arg12 : memref<!tpu.dma_semaphore, #tpu.memory_space<semaphore_mem>>)
      } else {
      }
    }
    %scan3A_298 = arith.constant 10 : i32
    "tpu.region"() ({
      %run_scoped3A = tpu.sem_alloc : memref<!tpu.dma_semaphore, #tpu.memory_space<semaphore_mem>>
      %dma_start3A_302 = arith.constant 0 : i32
      %dma_start3A_303 = tpu.memref_slice %arg5[%add3A, %dma_start3A_302] : memref<32x128xf32, #tpu.memory_space<hbm>> -> memref<1x128xf32, #tpu.memory_space<hbm>>
      %dma_start3A_304 = tpu.memref_squeeze %dma_start3A_303 : memref<1x128xf32, #tpu.memory_space<hbm>> -> memref<128xf32, #tpu.memory_space<hbm>>
      %dma_start3A_305 = arith.constant 0 : i32
      %dma_start3A_306 = tpu.memref_slice %arg5[%add3A, %dma_start3A_305] : memref<32x128xf32, #tpu.memory_space<hbm>> -> memref<1x128xf32, #tpu.memory_space<hbm>>
      %dma_start3A_307 = tpu.memref_squeeze %dma_start3A_306 : memref<1x128xf32, #tpu.memory_space<hbm>> -> memref<128xf32, #tpu.memory_space<hbm>>
      tpu.enqueue_dma source(%arg9 : memref<128xf32, #tpu.memory_space<vmem>>) target(%dma_start3A_307 : memref<128xf32, #tpu.memory_space<hbm>>) target_semaphore(%run_scoped3A : memref<!tpu.dma_semaphore, #tpu.memory_space<semaphore_mem>>)
      %dma_wait3A = arith.constant 0 : i32
      %dma_wait3A_308 = tpu.memref_slice %arg5[%add3A, %dma_wait3A] : memref<32x128xf32, #tpu.memory_space<hbm>> -> memref<1x128xf32, #tpu.memory_space<hbm>>
      %dma_wait3A_309 = tpu.memref_squeeze %dma_wait3A_308 : memref<1x128xf32, #tpu.memory_space<hbm>> -> memref<128xf32, #tpu.memory_space<hbm>>
      %dma_wait3A_310 = arith.constant 0 : i32
      %dma_wait3A_311 = tpu.memref_slice %arg5[%add3A, %dma_wait3A_310] : memref<32x128xf32, #tpu.memory_space<hbm>> -> memref<1x128xf32, #tpu.memory_space<hbm>>
      %dma_wait3A_312 = tpu.memref_squeeze %dma_wait3A_311 : memref<1x128xf32, #tpu.memory_space<hbm>> -> memref<128xf32, #tpu.memory_space<hbm>>
      tpu.wait_dma2 semaphore(%run_scoped3A : memref<!tpu.dma_semaphore, #tpu.memory_space<semaphore_mem>>) src(%arg9 : memref<128xf32, #tpu.memory_space<vmem>>) dst(%dma_wait3A_312 : memref<128xf32, #tpu.memory_space<hbm>>)
      tpu.yield
    }) : () -> ()
    %barrier3A_299 = arith.constant 0 : index
    tpu.barrier barrier_id(%barrier3A_299)
    %eq3A = arith.constant 0 : i32
    %eq3A_300 = arith.cmpi eq, %arg1, %eq3A : i32
    %convert_element_type3A = arith.extui %eq3A_300 : i1 to i32
    %cond3A = arith.constant 0 : i32
    %cond3A_301 = arith.cmpi ne, %convert_element_type3A, %cond3A : i32
    scf.if %cond3A_301 {
      "tpu.region"() ({
        %run_scoped3A = tpu.sem_alloc : memref<!tpu.dma_semaphore, #tpu.memory_space<semaphore_mem>>
        %dma_start3A_302 = arith.constant 0 : i32
        %dma_start3A_303 = arith.constant 0 : i32
        %dma_start3A_304 = tpu.memref_slice %arg4[%arg0, %dma_start3A_302, %dma_start3A_303] : memref<2x128x128xf32, #tpu.memory_space<hbm>> -> memref<1x128x128xf32, #tpu.memory_space<hbm>>
        %dma_start3A_305 = tpu.memref_squeeze %dma_start3A_304 : memref<1x128x128xf32, #tpu.memory_space<hbm>> -> memref<128x128xf32, #tpu.memory_space<hbm>>
        tpu.enqueue_dma source(%arg10 : memref<128x128xf32, #tpu.memory_space<vmem_shared>>) target(%dma_start3A_305 : memref<128x128xf32, #tpu.memory_space<hbm>>) target_semaphore(%run_scoped3A : memref<!tpu.dma_semaphore, #tpu.memory_space<semaphore_mem>>)
        %dma_wait3A = arith.constant 0 : i32
        %dma_wait3A_306 = arith.constant 0 : i32
        %dma_wait3A_307 = tpu.memref_slice %arg4[%arg0, %dma_wait3A, %dma_wait3A_306] : memref<2x128x128xf32, #tpu.memory_space<hbm>> -> memref<1x128x128xf32, #tpu.memory_space<hbm>>
        %dma_wait3A_308 = tpu.memref_squeeze %dma_wait3A_307 : memref<1x128x128xf32, #tpu.memory_space<hbm>> -> memref<128x128xf32, #tpu.memory_space<hbm>>
        tpu.wait_dma2 semaphore(%run_scoped3A : memref<!tpu.dma_semaphore, #tpu.memory_space<semaphore_mem>>) src(%arg10 : memref<128x128xf32, #tpu.memory_space<vmem_shared>>) dst(%dma_wait3A_308 : memref<128x128xf32, #tpu.memory_space<hbm>>)
        tpu.yield
      }) : () -> ()
    } else {
    }
    return
  }
}

module attributes {stable_mosaic.version = 14 : i64} {
  func.func @combine(%arg0: memref<2x128x128xf32, #tpu.memory_space<vmem>>, %arg1: memref<32x128xf32, #tpu.memory_space<vmem>>, %arg2: memref<128x128xf32, #tpu.memory_space<vmem>>, %arg3: memref<1x128xf32, #tpu.memory_space<vmem>>, %arg4: memref<128x128xf32, #tpu.memory_space<vmem>>) attributes {dimension_semantics = [], scalar_prefetch = 0 : i64, scratch_operands = 0 : i64, tpu.core_type = #tpu.core_type<tc>} {
    %get3A = arith.constant 0 : index
    %get3A_0 = arith.constant 0 : index
    %get3A_1 = arith.constant 0 : index
    %get3A_2 = vector.load %arg0[%get3A, %get3A_0, %get3A_1] : memref<2x128x128xf32, #tpu.memory_space<vmem>>, vector<1x128x128xf32>
    %get3A_3 = vector.shape_cast %get3A_2 : vector<1x128x128xf32> to vector<128x128xf32>
    %get3A_4 = arith.constant 1 : index
    %get3A_5 = arith.constant 0 : index
    %get3A_6 = arith.constant 0 : index
    %get3A_7 = vector.load %arg0[%get3A_4, %get3A_5, %get3A_6] : memref<2x128x128xf32, #tpu.memory_space<vmem>>, vector<1x128x128xf32>
    %get3A_8 = vector.shape_cast %get3A_7 : vector<1x128x128xf32> to vector<128x128xf32>
    %add3A = arith.addf %get3A_3, %get3A_8 : vector<128x128xf32>
    %get3A_9 = arith.constant 0 : index
    %get3A_10 = arith.constant 0 : index
    %get3A_11 = vector.load %arg2[%get3A_9, %get3A_10] : memref<128x128xf32, #tpu.memory_space<vmem>>, vector<128x128xf32>
    %add3A_12 = arith.addf %add3A, %get3A_11 : vector<128x128xf32>
    %get3A_13 = arith.constant 0 : index
    %get3A_14 = arith.constant 0 : index
    %get3A_15 = vector.load %arg1[%get3A_13, %get3A_14] : memref<32x128xf32, #tpu.memory_space<vmem>>, vector<32x128xf32>
    %reduce_sum3A = arith.constant dense<0.000000e+00> : vector<128xf32>
    %reduce_sum3A_16 = vector.multi_reduction <add>, %get3A_15, %reduce_sum3A [0] : vector<32x128xf32> to vector<128xf32>
    %get3A_17 = arith.constant 0 : index
    %get3A_18 = arith.constant 0 : index
    %get3A_19 = vector.load %arg3[%get3A_17, %get3A_18] : memref<1x128xf32, #tpu.memory_space<vmem>>, vector<1x128xf32>
    %get3A_20 = vector.shape_cast %get3A_19 : vector<1x128xf32> to vector<128xf32>
    %add3A_21 = arith.addf %reduce_sum3A_16, %get3A_20 : vector<128xf32>
    %max3A = arith.constant 1.000000e+00 : f32
    %max3A_22 = vector.broadcast %max3A : f32 to vector<128xf32>
    %max3A_23 = arith.maximumf %add3A_21, %max3A_22 : vector<128xf32>
    %broadcast_in_dim3A = vector.shape_cast %max3A_23 : vector<128xf32> to vector<128x1xf32>
    %div3A = vector.broadcast %broadcast_in_dim3A : vector<128x1xf32> to vector<128x128xf32>
    %div3A_24 = arith.divf %add3A_12, %div3A : vector<128x128xf32>
    %swap3A = arith.constant 0 : index
    %swap3A_25 = arith.constant 0 : index
    %swap3A_26 = vector.load %arg4[%swap3A, %swap3A_25] : memref<128x128xf32, #tpu.memory_space<vmem>>, vector<128x128xf32>
    tpu.vector_store %arg4[%swap3A, %swap3A_25], %div3A_24 {strides = array<i32>} : memref<128x128xf32, #tpu.memory_space<vmem>>, vector<128x128xf32>,
    return
  }
}

module attributes {stable_mosaic.version = 14 : i64} {
  func.func @body(%arg0: i32, %arg1: memref<800x128xf32, #tpu.memory_space<vmem>>, %arg2: memref<1x1x800xi32, #tpu.memory_space<vmem>>, %arg3: memref<128x128xf32, #tpu.memory_space<vmem>>, %arg4: memref<1x128xf32, #tpu.memory_space<vmem>>) attributes {dimension_semantics = [#tpu.dimension_semantics<arbitrary>], iteration_bounds = array<i64: 61>, scalar_prefetch = 0 : i64, scratch_operands = 0 : i64, tpu.core_type = #tpu.core_type<tc>, window_params = [{transform_indices = @transform_0, window_bounds = array<i64: 800, 128>}, {transform_indices = @transform_1, window_bounds = array<i64: 1, 1, 800>}, {pipeline_mode = #tpu.pipeline_mode<synchronous>, transform_indices = @transform_2, window_bounds = array<i64: 128, 128>}, {pipeline_mode = #tpu.pipeline_mode<synchronous>, transform_indices = @transform_3, window_bounds = array<i64: 1, 128>}]} {
    %iota3A = tpu.iota {dimensions = array<i32: 0>} : vector<128x800xi32>
    %get3A = arith.constant 0 : index
    %get3A_0 = arith.constant 0 : index
    %get3A_1 = arith.constant 0 : index
    %get3A_2 = vector.load %arg2[%get3A, %get3A_0, %get3A_1] : memref<1x1x800xi32, #tpu.memory_space<vmem>>, vector<1x1x800xi32>
    %get3A_3 = vector.shape_cast %get3A_2 : vector<1x1x800xi32> to vector<1x800xi32>
    %eq3A = vector.broadcast %get3A_3 : vector<1x800xi32> to vector<128x800xi32>
    %eq3A_4 = arith.cmpi eq, %iota3A, %eq3A : vector<128x800xi32>
    %convert_element_type3A = arith.extui %eq3A_4 : vector<128x800xi1> to vector<128x800xi32>
    %convert_element_type3A_5 = arith.sitofp %convert_element_type3A : vector<128x800xi32> to vector<128x800xf32>
    %convert_element_type3A_6 = arith.truncf %convert_element_type3A_5 : vector<128x800xf32> to vector<128x800xbf16>
    %get3A_7 = arith.constant 0 : index
    %get3A_8 = arith.constant 0 : index
    %get3A_9 = vector.load %arg1[%get3A_7, %get3A_8] : memref<800x128xf32, #tpu.memory_space<vmem>>, vector<800x128xf32>
    %convert_element_type3A_10 = arith.truncf %get3A_9 : vector<800x128xf32> to vector<800x128xbf16>
    %dot_general3A = arith.constant dense<0.000000e+00> : vector<128x128xf32>
    %dot_general3A_11 = tpu.matmul %convert_element_type3A_6, %convert_element_type3A_10, %dot_general3A {dimension_numbers = #tpu.dot_dimension_numbers<[1], [0], [0], [1], [0, 0, 1, 1], [], []>, transpose_lhs_hint = false} : vector<128x800xbf16>, vector<800x128xbf16>, vector<128x128xf32> -> vector<128x128xf32>
    %convert_element_type3A_12 = arith.extf %convert_element_type3A_6 : vector<128x800xbf16> to vector<128x800xf32>
    %reduce_sum3A = arith.constant dense<0.000000e+00> : vector<128xf32>
    %reduce_sum3A_13 = vector.multi_reduction <add>, %convert_element_type3A_12, %reduce_sum3A [1] : vector<128x800xf32> to vector<128xf32>
    %broadcast_in_dim3A = vector.shape_cast %reduce_sum3A_13 : vector<128xf32> to vector<1x128xf32>
    %eq3A_14 = arith.constant 0 : i32
    %eq3A_15 = arith.cmpi eq, %arg0, %eq3A_14 : i32
    %convert_element_type3A_16 = arith.extui %eq3A_15 : i1 to i32
    %cond3A = arith.constant 0 : i32
    %cond3A_17 = arith.cmpi ne, %convert_element_type3A_16, %cond3A : i32
    scf.if %cond3A_17 {
      %swap3A = arith.constant 0 : index
      %swap3A_22 = arith.constant 0 : index
      %swap3A_23 = vector.load %arg3[%swap3A, %swap3A_22] : memref<128x128xf32, #tpu.memory_space<vmem>>, vector<128x128xf32>
      tpu.vector_store %arg3[%swap3A, %swap3A_22], %dot_general3A_11 {strides = array<i32>} : memref<128x128xf32, #tpu.memory_space<vmem>>, vector<128x128xf32>,
      %swap3A_24 = arith.constant 0 : index
      %swap3A_25 = arith.constant 0 : index
      %swap3A_26 = vector.load %arg4[%swap3A_24, %swap3A_25] : memref<1x128xf32, #tpu.memory_space<vmem>>, vector<1x128xf32>
      tpu.vector_store %arg4[%swap3A_24, %swap3A_25], %broadcast_in_dim3A {strides = array<i32>} : memref<1x128xf32, #tpu.memory_space<vmem>>, vector<1x128xf32>,
    } else {
    }
    %gt3A = arith.constant 0 : i32
    %gt3A_18 = arith.cmpi sgt, %arg0, %gt3A : i32
    %convert_element_type3A_19 = arith.extui %gt3A_18 : i1 to i32
    %cond3A_20 = arith.constant 0 : i32
    %cond3A_21 = arith.cmpi ne, %convert_element_type3A_19, %cond3A_20 : i32
    scf.if %cond3A_21 {
      %get3A_22 = arith.constant 0 : index
      %get3A_23 = arith.constant 0 : index
      %get3A_24 = vector.load %arg3[%get3A_22, %get3A_23] : memref<128x128xf32, #tpu.memory_space<vmem>>, vector<128x128xf32>
      %add3A = arith.addf %get3A_24, %dot_general3A_11 : vector<128x128xf32>
      %swap3A = arith.constant 0 : index
      %swap3A_25 = arith.constant 0 : index
      %swap3A_26 = vector.load %arg3[%swap3A, %swap3A_25] : memref<128x128xf32, #tpu.memory_space<vmem>>, vector<128x128xf32>
      tpu.vector_store %arg3[%swap3A, %swap3A_25], %add3A {strides = array<i32>} : memref<128x128xf32, #tpu.memory_space<vmem>>, vector<128x128xf32>,
      %get3A_27 = arith.constant 0 : index
      %get3A_28 = arith.constant 0 : index
      %get3A_29 = vector.load %arg4[%get3A_27, %get3A_28] : memref<1x128xf32, #tpu.memory_space<vmem>>, vector<1x128xf32>
      %add3A_30 = arith.addf %get3A_29, %broadcast_in_dim3A : vector<1x128xf32>
      %swap3A_31 = arith.constant 0 : index
      %swap3A_32 = arith.constant 0 : index
      %swap3A_33 = vector.load %arg4[%swap3A_31, %swap3A_32] : memref<1x128xf32, #tpu.memory_space<vmem>>, vector<1x128xf32>
      tpu.vector_store %arg4[%swap3A_31, %swap3A_32], %add3A_30 {strides = array<i32>} : memref<1x128xf32, #tpu.memory_space<vmem>>, vector<1x128xf32>,
    } else {
    }
    return
  }
  func.func @transform_0(%arg0: i32) -> (i32, i32) {
    %add3A = arith.constant 64 : i32
    %add3A_0 = arith.addi %add3A, %arg0 : i32
    %c0_i32 = arith.constant 0 : i32
    %c0_i32_1 = arith.constant 0 : i32
    return %add3A_0, %c0_i32 : i32, i32
  }
  func.func @transform_1(%arg0: i32) -> (i32, i32, i32) {
    %add3A = arith.constant 64 : i32
    %add3A_0 = arith.addi %add3A, %arg0 : i32
    %c0_i32 = arith.constant 0 : i32
    %c0_i32_1 = arith.constant 0 : i32
    %c0_i32_2 = arith.constant 0 : i32
    return %add3A_0, %c0_i32, %c0_i32_1 : i32, i32, i32
  }
  func.func @transform_2(%arg0: i32) -> (i32, i32) {
    %c0_i32 = arith.constant 0 : i32
    %c0_i32_0 = arith.constant 0 : i32
    %c0_i32_1 = arith.constant 0 : i32
    return %c0_i32, %c0_i32_0 : i32, i32
  }
  func.func @transform_3(%arg0: i32) -> (i32, i32) {
    %c0_i32 = arith.constant 0 : i32
    %c0_i32_0 = arith.constant 0 : i32
    %c0_i32_1 = arith.constant 0 : i32
    return %c0_i32, %c0_i32_0 : i32, i32
  }
}

</mosaic_0001>

<sc_bundles>
// kernel: kernel.5.cloned.1.call-start
scs
__scs_entry_jumppad:
0x0: {  	(pc) =	sbr.rel $0x88, $3  }
0x1: {  	(tag) =	ssettag $0x0;
	lr =	simm.s32 $0x1  }
0x2: {  	[smem:$0x3F9F] =	sst lr;
	_ =	strace $0xD0000000  }
0x3: {  	_ = 	snop  }
0x4: {  	_ = 	snop  }
0x5: {  	_ = 	snop  }
0x6: {  	_ = 	snop  }
0x7: {  	_ = 	snop  }
__scs_overlays_trampoline_lowered:
0x8: {  	[smem:$0x3FAE] =	sst s0  }
0x9: {  	[smem:$0x3FAF] =	sst s1  }
0xa: {  	[smem:$0x3FB0] =	sst s2  }
0xb: {  	[smem:$0x3FB1] =	sst s3  }
0xc: {  	[smem:$0x3FB2] =	sst s4  }
0xd: {  	[smem:$0x3FB3] =	sst s5  }
0xe: {  	[smem:$0x3FB4] =	sst s6  }
0xf: {  	[smem:$0x3FB5] =	sst s7  }
0x10: {  	[smem:$0x3FB6] =	sst s8  }
0x11: {  	[smem:$0x3FB7] =	sst s9;
	s0 =	simm.s32 @!p0 $0x0  }
0x12: {  	s1 =	sld [smem:$0x3F9D];
	s0 =	simm.s32 @p0 $0x1  }
0x13: {  	[smem:$0x3FB8] =	sst s0;
	s0 =	simm.s32 @!p1 $0x0  }
0x14: {  	s2 =	sld [smem:$0x3F9C];
	s0 =	simm.s32 @p1 $0x1  }
0x15: {  	[smem:$0x3FB9] =	sst s0;
	s0 =	simm.s32 @!p2 $0x0  }
0x16: {  	s3 =	sld [smem:$0x3FDB];
	s0 =	simm.s32 @p2 $0x1  }
0x17: {  	s4 =	simm.s32 $0x1BF5;
	[smem:$0x3FBB] =	sst s0  }
0x18: {  	s0 =	sld [smem:$0x3F9E];
	_ =	swait.ge [sflag:s4], $0x0  }
0x19: {  	s7 =	sld [smem:$0x3F9F]  }
0x1a: {  	s8 =	sadd.s32 $0xFFFFE003, lr  }
0x1b: {  	s9 =	sadd.s32 $0xFFFFFEF7, lr;
	s5 =	simm.s32 $0xFFFFFFFF;
	p2 =	slt.u32 s8, $0xFFFFF086  }
0x1c: {  	p1 =	slt.u32 s9, $0xF7A;
	s5 =	simm.s32 @!p2 $0x0  }
0x1d: {  	s5 =	simm.s32 @p1 $0x1;
	p0 =	seq.s32 s7, s2  }
0x1e: {  	s7 =	smul.u32 @!p0 $0xF7A, s2;
	p2 =	seq.s32 @!p0 s5, $0x0  }
0x1f: {  	s9 =	smul.u32 $0xF7A, s1;
	s8 =	simm.s32 @!p0 $0x1BF5;
	p2 =	por !p2, p0  }
0x20: {  	[sflag:s8] =	ssyncset.s32 @!p0 $0xFFFFF086;
	s6 =	sadd.s32 @!p0 s3, s7;
	s7 =	simm.s32 @!p0 $0x108  }
0x21: {  	s3 =	sadd.s32 s3, s9;
	s6 =	sadd.s32 @!p0 $0x88, s6;
	s7 =	simm.s32 @p2 $0x1082  }
0x22: {  	[simem:s7], [sflag:s8] =	dma.local @!p0 [hbm:s6], $0xF7A  }
0x23: {  	s9 =	sor.u32 $0xD0000000, s2;
	s6 =	simm.s32 $0x108;
	_ =	swait.ge @!p0 [sflag:s8], $0x0  }
0x24: {  	s3 =	sadd.s32 $0x88, s3;
	s6 =	simm.s32 @!p1 $0x1082;
	[sflag:s4] =	ssyncset.s32 $0xFFFFF086  }
0x25: {  	[simem:s6], [sflag:s4] =	dma.local [hbm:s3], $0xF7A  }
0x26: {  	[smem:$0x3F9F] =	sst s1;
	(tag) =	ssettag s2;
	_ =	strace s9  }
0x27: {  	s1 =	sld [smem:$0x3FAF]  }
0x28: {  	s2 =	sld [smem:$0x3FB0]  }
0x29: {  	s4 =	sld [smem:$0x3FB2]  }
0x2a: {  	p0 =	seq.s32 s5, $0x0;
	s5 =	sld [smem:$0x3FB3]  }
0x2b: {  	s6 =	sld [smem:$0x3FB4]  }
0x2c: {  	s7 =	sld [smem:$0x3FB5]  }
0x2d: {  	s3 =	simm.s32 $0x108;
	s8 =	sld [smem:$0x3FB6]  }
0x2e: {  	s3 =	simm.s32 @!p0 $0x1082;
	s9 =	sld [smem:$0x3FB7]  }
0x2f: {  	lr =	sadd.s32 s0, s3;
	s0 =	sld [smem:$0x3FAE]  }
0x30: {  	s3 =	sld [smem:$0x3FB1]  }
0x31: {  	[smem:$0x3FBA] =	sst s10  }
0x32: {  	s10 =	sld [smem:$0x3FB8];
	_ =	sdelay $0x3  }
0x33: {  	p0 =	seq.s32 s10, $0x1;
	s10 =	sld [smem:$0x3FBA];
	_ =	sdelay $0x3  }
0x34: {  	[smem:$0x3FBA] =	sst s10  }
0x35: {  	s10 =	sld [smem:$0x3FB9];
	_ =	sdelay $0x3  }
0x36: {  	p1 =	seq.s32 s10, $0x1;
	s10 =	sld [smem:$0x3FBA];
	_ =	sdelay $0x3  }
0x37: {  	[smem:$0x3FBA] =	sst s10  }
0x38: {  	s10 =	sld [smem:$0x3FBB]  }
0x39: {  	_ = 	snop;
	(pc) =	sbr.ind lr, $3  }
0x3a: {  	_ = 	snop  }
0x3b: {  	_ = 	snop  }
0x3c: {  	p2 =	seq.s32 s10, $0x1;
	s10 =	sld [smem:$0x3FBA]  }
0x3d: {  	_ =	shalt  }
0x3e: {  	_ =	shalt  }
0x3f: {  	_ =	shalt  }
0x40: {  	_ =	shalt  }
0x41: {  	_ =	shalt  }
0x42: {  	_ =	shalt  }
0x43: {  	_ =	shalt  }
0x44: {  	_ =	shalt  }
0x45: {  	_ =	shalt  }
0x46: {  	_ =	shalt  }
0x47: {  	_ =	shalt  }
0x48: {  	_ =	shalt  }
0x49: {  	_ =	shalt  }
0x4a: {  	_ =	shalt  }
0x4b: {  	_ =	shalt  }
0x4c: {  	_ =	shalt  }
0x4d: {  	_ =	shalt  }
0x4e: {  	_ =	shalt  }
0x4f: {  	_ =	shalt  }
0x50: {  	_ =	shalt  }
0x51: {  	_ =	shalt  }
0x52: {  	_ =	shalt  }
0x53: {  	_ =	shalt  }
0x54: {  	_ =	shalt  }
0x55: {  	_ =	shalt  }
0x56: {  	_ =	shalt  }
0x57: {  	_ =	shalt  }
0x58: {  	_ =	shalt  }
0x59: {  	_ =	shalt  }
0x5a: {  	_ =	shalt  }
0x5b: {  	_ =	shalt  }
0x5c: {  	_ =	shalt  }
0x5d: {  	_ =	shalt  }
0x5e: {  	_ =	shalt  }
0x5f: {  	_ =	shalt  }
0x60: {  	_ =	shalt  }
0x61: {  	_ =	shalt  }
0x62: {  	_ =	shalt  }
0x63: {  	_ =	shalt  }
0x64: {  	_ =	shalt  }
0x65: {  	_ =	shalt  }
0x66: {  	_ =	shalt  }
0x67: {  	_ =	shalt  }
0x68: {  	_ =	shalt  }
0x69: {  	_ =	shalt  }
0x6a: {  	_ =	shalt  }
0x6b: {  	_ =	shalt  }
0x6c: {  	_ =	shalt  }
0x6d: {  	_ =	shalt  }
0x6e: {  	_ =	shalt  }
0x6f: {  	_ =	shalt  }
0x70: {  	_ =	shalt  }
0x71: {  	_ =	shalt  }
0x72: {  	_ =	shalt  }
0x73: {  	_ =	shalt  }
0x74: {  	_ =	shalt  }
0x75: {  	_ =	shalt  }
0x76: {  	_ =	shalt  }
0x77: {  	_ =	shalt  }
0x78: {  	_ =	shalt  }
0x79: {  	_ =	shalt  }
0x7a: {  	_ =	shalt  }
0x7b: {  	_ =	shalt  }
0x7c: {  	_ =	shalt  }
0x7d: {  	_ =	shalt  }
0x7e: {  	_ =	shalt  }
0x7f: {  	_ =	shalt  }
0x80: {  	_ =	shalt  }
0x81: {  	_ =	shalt  }
0x82: {  	_ =	shalt  }
0x83: {  	_ =	shalt  }
0x84: {  	_ =	shalt  }
0x85: {  	_ =	shalt  }
0x86: {  	_ =	shalt  }
0x87: {  	_ =	shalt  }
.Lfunc_end0:
.L_simem_size_0:
called_computation_lowered:
.L_overlay_start_0:
0x88: {  	s2 =	sld [smem:$0x3FD9]  }
0x89: {  	s3 =	sld [smem:$0x3FFE];
	_ =	sdelay $0x1  }
0x8a: {  	s1 =	srdreg.scid  }
0x8b: {  	s0 =	sand.u32 $0x1, s1  }
0x8c: {  	s17 =	sshll.u32 s0, $0xA;
	s2 =	sadd.s32 s3, s2  }
0x8d: {  	s2 =	sadd.s32 s2, s17  }
0x8e: {  	[smem:$0x3FC6] =	sst s2  }
0x8f: {  	_ = 	snop  }
0x90: {  	s2 =	sld [smem:$0x3FC9]  }
0x91: {  	s18 =	sld [smem:$0x3FC8]  }
0x92: {  	s4 =	sld [smem:$0x3FD0];
	(tm) =	ssettm $0x1  }
0x93: {  	s5 =	sld [smem:$0x3FFB];
	_ =	sdelay $0x3  }
0x94: {  	_ =	strace s5  }
0x95: {  	s5 =	sld [smem:$0x3FFC];
	_ =	sdelay $0x3  }
0x96: {  	_ =	strace s5  }
0x97: {  	s5 =	sld [smem:$0x3FFD];
	_ =	sdelay $0x3  }
0x98: {  	_ =	strace s5  }
0x99: {  	_ =	strace $0x8FFFFFFF  }
0x9a: {  	s19 =	sld [smem:$0x3FDB];
	_ =	sdelay $0x1  }
0x9b: {  	s6 =	simm.s32 $_scs_section_size  }
0x9c: {  	s7 =	simm.s32 $_size__tile_overlayer_lowered;
	s8 =	simm.s32 $_tile_overlayer_lowered  }
0x9d: {  	s22 =	simm.s32 $0x1BFF;
	s21 =	sshll.u32 s8, $0x1;
	s5 =	sadd.s32 s6, s19  }
0x9e: {  	s9 =	simm.s32 $0x0;
	s20 =	sshll.u32 s7, $0x1;
	s7 =	sadd.s32 s21, s5  }
0x9f: {  	[timem:s9], [sflag:s22] =	dma.local [hbm:s7], s20  }
0xa0: {  	_ =	swait.ge [sflag:s22], s20  }
0xa1: {  	s6 =	ssub.s32 $0x0, s20;
	[sflag:s22] =	ssyncset.done $0x0  }
0xa2: {  	[sflag:s22] =	ssyncadd.s32 s6;
	_ =	sdelay $0x1  }
0xa3: {  	s23 =	simm.s32 $0x1B8B  }
0xa4: {  	_ =	swait.ge [sflag:s23], $0x1  }
0xa5: {  	[sflag:s23] =	ssyncset.done $0x0  }
0xa6: {  	s25 =	simm.s32 $0x1B8E;
	s24 =	sld [smem:$0x3FFE];
	[sflag:s23] =	ssyncadd.s32 $0xFFFFFFFF  }
0xa7: {  	s26 =	simm.s32 $execute0_lowered;
	[smem:$0x3FD2] =	sst s25  }
0xa8: {  	s7 =	sshll.u32 s26, $0x1;
	_ =	strace $0x80000046;
	[dreg:$0x1] =	wrdreg $0xFFFFFFFF  }
0xa9: {  	s28 =	simm.s32 $_size_execute0_lowered;
	s5 =	sadd.s32 s5, s7;
	[dreg:$0x0] =	wrdreg $0x0  }
0xaa: {  	s7 =	sshll.u32 s28, $0x1;
	[dreg:$0x2] =	wrdreg s5  }
0xab: {  	[dreg:$0x3] =	wrdreg s7  }
0xac: {  	[dreg:$0x4] =	wrdreg $0xC0  }
0xad: {  	_ =	task [dreg:s9], $0x5FFFF  }
0xae: {  	[dreg:$0x1] =	wrdreg $0xFFFFFFFF  }
0xaf: {  	[dreg:$0x0] =	wrdreg $0x60  }
0xb0: {  	[dreg:$0x2] =	wrdreg s2  }
0xb1: {  	[dreg:$0x3] =	wrdreg s18  }
0xb2: {  	[dreg:$0x4] =	wrdreg s24  }
0xb3: {  	[dreg:$0x5] =	wrdreg s4  }
0xb4: {  	[dreg:$0x6] =	wrdreg $0x56C00  }
0xb5: {  	[dreg:$0x7] =	wrdreg $0x9  }
0xb6: {  	_ =	task.clear_ibuf [dreg:s9], $0x8FFFF;
	_ =	strace $0x90000046  }
0xb7: {  	s29 =	simm.s32 $0x9;
	_ =	strace $0x80000048  }
0xb8: {  	_ =	swait.ge [sflag:s29], $0x1  }
0xb9: {  	[sflag:s29] =	ssyncadd.s32 $0xFFFFFFFF  }
0xba: {  	_ =	strace $0x90000048  }
0xbb: {  	_ =	sfence  }
0xbc: {  	s30 =	sld [smem:$0x0];
	_ =	sdelay $0x2  }
0xbd: {  	s31 =	sshll.u32 s1, $0xD;
	s1 =	sshrl.u32 s1, $0x2  }
0xbe: {  	s3 =	sand.u32 $0x4000, s31;
	s1 =	sadd.s32 s1, s30  }
0xbf: {  	s0 =	sor.u32 s3, s0;
	s1 =	sshll.u32 s1, $0x11  }
0xc0: {  	s0 =	sor.u32 s1, s0  }
0xc1: {  	s0 =	sadd.s32 $0x8F2B, s0  }
0xc2: {  	[sflag:s0] =	ssyncadd.remote.s32 $0x1  }
0xc3: {  	_ =	sfence.sel $0xFFFF  }
0xc4: {  	[dreg:$0x0] =	wrdreg $0xFFFFFFFF;
	(pc) =	sbr.abs _section_cstart, $3  }
0xc5: {  	[dreg:$0x1] =	wrdreg $0xFFFFFFFF  }
0xc6: {  	_ =	task.clear_ibuf [dreg:s9], $0x2FFFF;
	_ =	strace $0x9FFFFFFF  }
0xc7: {  	(tm) =	ssettm $0x7FFFFFFF  }
tec
execute0_lowered:
.L_overlay_start_1:
0x0: {  	(tag) =	ssettag $0x1  }
0x1: {  	s6 =	rddreg [dreg:$0x0]  }
0x2: {  	s7 =	rddreg [dreg:$0x1]  }
0x3: {  	s3 =	rddreg [dreg:$0x2]  }
0x4: {  	s8 =	rddreg [dreg:$0x3]  }
0x5: {  	s1 =	rddreg [dreg:$0x4]  }
0x6: {  	s0 =	rddreg [dreg:$0x5];
	s2 =	simm.s32 $0x0;
	s4 =	srdreg.scid  }
0x7: {  	s18 =	stileid.u32;
	s16 =	simm.s32 $0x50;
	s17 =	simm.s32 $0x2  }
0x8: {  	s19 =	simm.s32 $0x55F0;
	s21 =	simm.s32 $0x0;
	[smem:$0x7FF] =	sst s2  }
0x9: {  	s5 =	sand.u32 $0x1, s4;
	s23 =	sshll.u32 s18, $0x1;
	s28 =	sshll.u32 s18, $0xA  }
0xa: {  	s15 =	smul.u32 $0xC800, s18;
	p0 =	sne.s32 s18, $0x0;
	s18 =	simm.s32 $0x55A0  }
0xb: {  	_ =	strace $0x80000047;
	s9 =	sor.u32 s5, s23;
	s30 =	smul.u32 $0x6400, s5  }
0xc: {  	s24 =	sshll.u32 s5, $0xB;
	s10 =	ssub.s32 $0x2, s5;
	s11 =	smul.u32 $0x6400, s9  }
0xd: {  	s20 =	sshrl.u32 @!p0 s1, $0x3;
	s12 =	sadd.s32 s24, s3;
	s26 =	smul.u32 $0x32000, s9  }
0xe: {  	s25 =	sshrl.u32 s10, $0x1;
	s13 =	smul.u32 $0xC8, s9;
	s3 =	sadd.s32 s28, s1  }
0xf: {  	s9 =	sshll.u32 s9, $0x4;
	s31 =	sadd.s32 s15, s6;
	s15 =	simm.s32 $0x5640  }
0x10: {  	s10 =	ssub.s32 s10, s25;
	s14 =	sshrl.u32 s26, $0x3;
	s4 =	sadd.s32 s6, s11  }
0x11: {  	s11 =	sadd.s32 s30, s31;
	s29 =	sadd.s32 s6, s14;
	s6 =	sadd.s32 s7, s13  }
0x12: {  	s7 =	sadd.s32 s8, s9;
	s8 =	sadd.s32 $0x1000, s12;
	s9 =	smax.u32 s10, $0x1  }
0x13: {  	s10 =	sadd.s32 $0xF00, s11;
	s11 =	simm.s32 $0x3;
	s12 =	simm.s32 $0x2800  }
0x14: {  	v0 =	vimm.f32 $0.0e+00;
	v1 =	vimm.f32 $1.000000000e+00;
	s13 =	simm.s32 $0x5000;
	s14 =	simm.s32 $0x1;
	s5 =	sadd.s32 $0x500, s29  }
.LBB2_1:
0x15: {  	[tilespmem:$0x5640] =	vst v0  }
0x16: {  	[tilespmem:$0x5650] =	vst v0  }
0x17: {  	[tilespmem:$0x5660] =	vst v0  }
0x18: {  	[tilespmem:$0x5670] =	vst v0  }
0x19: {  	[tilespmem:$0x5680] =	vst v0  }
0x1a: {  	[tilespmem:$0x5690] =	vst v0  }
0x1b: {  	[tilespmem:$0x56A0] =	vst v0  }
0x1c: {  	[tilespmem:$0x56B0] =	vst v0  }
0x1d: {  	[tilespmem:$0x0] =	vst v0  }
0x1e: {  	[tilespmem:$0x10] =	vst v0  }
0x1f: {  	[tilespmem:$0x20] =	vst v0  }
0x20: {  	[tilespmem:$0x30] =	vst v0  }
0x21: {  	[tilespmem:$0x40] =	vst v0  }
0x22: {  	[tilespmem:$0x50] =	vst v0  }
0x23: {  	[tilespmem:$0x60] =	vst v0  }
0x24: {  	[tilespmem:$0x70] =	vst v0  }
0x25: {  	[tilespmem:$0x80] =	vst v0  }
0x26: {  	[tilespmem:$0x90] =	vst v0  }
0x27: {  	[tilespmem:$0xA0] =	vst v0  }
0x28: {  	[tilespmem:$0xB0] =	vst v0  }
0x29: {  	[tilespmem:$0xC0] =	vst v0  }
0x2a: {  	[tilespmem:$0xD0] =	vst v0  }
0x2b: {  	[tilespmem:$0xE0] =	vst v0  }
0x2c: {  	[tilespmem:$0xF0] =	vst v0  }
0x2d: {  	[tilespmem:$0x100] =	vst v0  }
0x2e: {  	[tilespmem:$0x110] =	vst v0  }
0x2f: {  	[tilespmem:$0x120] =	vst v0  }
0x30: {  	[tilespmem:$0x130] =	vst v0  }
0x31: {  	[tilespmem:$0x140] =	vst v0  }
0x32: {  	[tilespmem:$0x150] =	vst v0  }
0x33: {  	[tilespmem:$0x160] =	vst v0  }
0x34: {  	[tilespmem:$0x170] =	vst v0  }
0x35: {  	[tilespmem:$0x180] =	vst v0  }
0x36: {  	[tilespmem:$0x190] =	vst v0  }
0x37: {  	[tilespmem:$0x1A0] =	vst v0  }
0x38: {  	[tilespmem:$0x1B0] =	vst v0  }
0x39: {  	[tilespmem:$0x1C0] =	vst v0  }
0x3a: {  	[tilespmem:$0x1D0] =	vst v0  }
0x3b: {  	[tilespmem:$0x1E0] =	vst v0  }
0x3c: {  	[tilespmem:$0x1F0] =	vst v0  }
0x3d: {  	[tilespmem:$0x200] =	vst v0  }
0x3e: {  	[tilespmem:$0x210] =	vst v0  }
0x3f: {  	[tilespmem:$0x220] =	vst v0  }
0x40: {  	[tilespmem:$0x230] =	vst v0  }
0x41: {  	[tilespmem:$0x240] =	vst v0  }
0x42: {  	[tilespmem:$0x250] =	vst v0  }
0x43: {  	[tilespmem:$0x260] =	vst v0  }
0x44: {  	[tilespmem:$0x270] =	vst v0  }
0x45: {  	[tilespmem:$0x280] =	vst v0  }
0x46: {  	[tilespmem:$0x290] =	vst v0  }
0x47: {  	[tilespmem:$0x2A0] =	vst v0  }
0x48: {  	[tilespmem:$0x2B0] =	vst v0  }
0x49: {  	[tilespmem:$0x2C0] =	vst v0  }
0x4a: {  	[tilespmem:$0x2D0] =	vst v0  }
0x4b: {  	[tilespmem:$0x2E0] =	vst v0  }
0x4c: {  	[tilespmem:$0x2F0] =	vst v0  }
0x4d: {  	[tilespmem:$0x300] =	vst v0  }
0x4e: {  	[tilespmem:$0x310] =	vst v0  }
0x4f: {  	[tilespmem:$0x320] =	vst v0  }
0x50: {  	[tilespmem:$0x330] =	vst v0  }
0x51: {  	[tilespmem:$0x340] =	vst v0  }
0x52: {  	[tilespmem:$0x350] =	vst v0  }
0x53: {  	[tilespmem:$0x360] =	vst v0  }
0x54: {  	[tilespmem:$0x370] =	vst v0  }
0x55: {  	[tilespmem:$0x380] =	vst v0  }
0x56: {  	[tilespmem:$0x390] =	vst v0  }
0x57: {  	[tilespmem:$0x3A0] =	vst v0  }
0x58: {  	[tilespmem:$0x3B0] =	vst v0  }
0x59: {  	[tilespmem:$0x3C0] =	vst v0  }
0x5a: {  	[tilespmem:$0x3D0] =	vst v0  }
0x5b: {  	[tilespmem:$0x3E0] =	vst v0  }
0x5c: {  	[tilespmem:$0x3F0] =	vst v0  }
0x5d: {  	[spmem:s3] =	stream.linear.scatter [tilespmem:s2], [sflag:$0x3], $0x400, $0x38;
	[tilespmem:$0x5AC0] =	vst v63  }
0x5e: {  	_ =	swait.ge [sflag:s11], $0x400  }
0x5f: {  	[sflag:s11] =	ssyncset.done $0x0  }
0x60: {  	[sflag:s11] =	ssyncadd.s32 $0xFFFFFC00  }
0x61: {  	[tilespmem:s2], [sflag:$0x1] =	stream.linear.gather [hbm4b:s4+s2], $0x2800, $0x38;
	[tilespmem:$0x5AC0] =	vst v63  }
0x62: {  	_ = 	snop  }
0x63: {  	[tilespmem:s12], [sflag:$0x2] =	stream.linear.gather [hbm4b:s5+s2], $0x2800, $0x38;
	[tilespmem:$0x5AC0] =	vst v63  }
0x64: {  	_ = 	snop  }
0x65: {  	[tilespmem:s13], [sflag:$0x3] =	stream.linear.gather [hbm4b:s6+s2], $0x640, $0x38;
	[tilespmem:$0x5AC0] =	vst v63  }
0x66: {  	_ =	swait.ge [sflag:s11], $0x640  }
0x67: {  	[sflag:s11] =	ssyncset.done $0x0  }
0x68: {  	[sflag:s11] =	ssyncadd.s32 $0xFFFFF9C0  }
0x69: {  	s22 =	smov.u32 s10;
	s23 =	simm.s32 $0x0;
	[bflag:$0x0] =	sbarrier.arrive $0xFFFF  }
.LBB2_2:
0x6a: {  	_ =	swait.ge [sflag:s14], $0x2800  }
0x6b: {  	[sflag:s14] =	ssyncset.done $0x0  }
0x6c: {  	s24 =	sshra.s32 s23, $0x2;
	[sflag:s14] =	ssyncadd.s32 $0xFFFFD800  }
0x6d: {  	v2 =	vld [tilespmem:s24+$0x5000];
	_ =	sdelay $0x7  }
0x6e: {  	[tilespmem:v2+s15+$0x0] =	vst.idx.add.f32.msk $0xffff, v1  }
0x6f: {  	v2 =	vld [tilespmem:s24+$0x5010];
	_ =	sdelay $0x7  }
0x70: {  	[tilespmem:v2+s15+$0x0] =	vst.idx.add.f32.msk $0xffff, v1  }
0x71: {  	v2 =	vld [tilespmem:s24+$0x5020];
	_ =	sdelay $0x7  }
0x72: {  	[tilespmem:v2+s15+$0x0] =	vst.idx.add.f32.msk $0xffff, v1  }
0x73: {  	v2 =	vld [tilespmem:s24+$0x5030];
	_ =	sdelay $0x7  }
0x74: {  	[tilespmem:v2+s15+$0x0] =	vst.idx.add.f32.msk $0xffff, v1  }
0x75: {  	v2 =	vld [tilespmem:s24+$0x5040];
	_ =	sdelay $0x7  }
0x76: {  	s25 =	sadd.s32 $0x5000, s24;
	[tilespmem:v2+s15+$0x0] =	vst.idx.add.f32.msk $0xffff, v1  }
0x77: {  	[spmem:s1] =	stream.indirect.scatter.add.f32 [tilespmem:s2], [sflag:$0x3], $0x80, s25, s16, $0xb8;
	[tilespmem:$0x5AC0] =	vst v63  }
0x78: {  	_ =	swait.ge [sflag:s11], $0x2800  }
0x79: {  	[sflag:s11] =	ssyncset.done $0x0  }
0x7a: {  	s31 =	sadd.s32 $0xFFFFFB00, s22;
	[sflag:s11] =	ssyncadd.s32 $0xFFFFD800  }
0x7b: {  	[tilespmem:s2], [sflag:$0x1] =	stream.linear.gather [hbm4b:s31+s2], $0x2800, $0x38;
	[tilespmem:$0x5AC0] =	vst v63  }
0x7c: {  	_ =	swait.ge [sflag:s17], $0x2800  }
0x7d: {  	[sflag:s17] =	ssyncset.done $0x0  }
0x7e: {  	[sflag:s17] =	ssyncadd.s32 $0xFFFFD800  }
0x7f: {  	v2 =	vld [tilespmem:s24+$0x5050];
	_ =	sdelay $0x7  }
0x80: {  	[tilespmem:v2+s15+$0x0] =	vst.idx.add.f32.msk $0xffff, v1  }
0x81: {  	v2 =	vld [tilespmem:s24+$0x5060];
	_ =	sdelay $0x7  }
0x82: {  	[tilespmem:v2+s15+$0x0] =	vst.idx.add.f32.msk $0xffff, v1  }
0x83: {  	v2 =	vld [tilespmem:s24+$0x5070];
	_ =	sdelay $0x7  }
0x84: {  	[tilespmem:v2+s15+$0x0] =	vst.idx.add.f32.msk $0xffff, v1  }
0x85: {  	v2 =	vld [tilespmem:s24+$0x5080];
	_ =	sdelay $0x7  }
0x86: {  	[tilespmem:v2+s15+$0x0] =	vst.idx.add.f32.msk $0xffff, v1  }
0x87: {  	v2 =	vld [tilespmem:s24+$0x5090];
	_ =	sdelay $0x7  }
0x88: {  	p1 =	sne.s32 s23, $0x1400;
	s24 =	sadd.s32 $0x5050, s24;
	[tilespmem:v2+s15+$0x0] =	vst.idx.add.f32.msk $0xffff, v1  }
0x89: {  	[spmem:s1] =	stream.indirect.scatter.add.f32 [tilespmem:s12], [sflag:$0x3], $0x80, s24, s16, $0xb8;
	[tilespmem:$0x5AC0] =	vst v63  }
.Ltmp0:
0x8a: {  	_ =	swait.ge [sflag:s11], $0x2800;
	(pc) =	sbr.rel @p1 .LBB2_2-.Ltmp0, $4  }
0x8b: {  	[sflag:s11] =	ssyncset.done $0x0  }
0x8c: {  	[sflag:s11] =	ssyncadd.s32 $0xFFFFD800  }
0x8d: {  	[tilespmem:s12], [sflag:$0x2] =	stream.linear.gather [hbm4b:s22+s2], $0x2800, $0x38;
	[tilespmem:$0x5AC0] =	vst v63  }
0x8e: {  	s23 =	sadd.s32 $0x280, s23;
	s22 =	sadd.s32 $0xA00, s22  }
0x8f: {  	_ =	swait.ge [sflag:s14], $0x2800  }
0x90: {  	[sflag:s14] =	ssyncset.done $0x0  }
0x91: {  	[sflag:s14] =	ssyncadd.s32 $0xFFFFD800  }
0x92: {  	v2 =	vld [tilespmem:$0x55A0];
	_ =	sdelay $0x7  }
0x93: {  	[tilespmem:v2+s15+$0x0] =	vst.idx.add.f32.msk $0xffff, v1  }
0x94: {  	v2 =	vld [tilespmem:$0x55B0];
	_ =	sdelay $0x7  }
0x95: {  	[tilespmem:v2+s15+$0x0] =	vst.idx.add.f32.msk $0xffff, v1  }
0x96: {  	v2 =	vld [tilespmem:$0x55C0];
	_ =	sdelay $0x7  }
0x97: {  	[tilespmem:v2+s15+$0x0] =	vst.idx.add.f32.msk $0xffff, v1  }
0x98: {  	v2 =	vld [tilespmem:$0x55D0];
	_ =	sdelay $0x7  }
0x99: {  	[tilespmem:v2+s15+$0x0] =	vst.idx.add.f32.msk $0xffff, v1  }
0x9a: {  	v2 =	vld [tilespmem:$0x55E0];
	_ =	sdelay $0x7  }
0x9b: {  	[tilespmem:v2+s15+$0x0] =	vst.idx.add.f32.msk $0xffff, v1  }
0x9c: {  	[spmem:s1] =	stream.indirect.scatter.add.f32 [tilespmem:s2], [sflag:$0x3], $0x80, s18, s16, $0xb8;
	[tilespmem:$0x5AC0] =	vst v63  }
0x9d: {  	_ =	swait.ge [sflag:s11], $0x2800  }
0x9e: {  	[sflag:s11] =	ssyncset.done $0x0  }
0x9f: {  	[sflag:s11] =	ssyncadd.s32 $0xFFFFD800  }
0xa0: {  	_ =	swait.ge [sflag:s17], $0x2800  }
0xa1: {  	[sflag:s17] =	ssyncset.done $0x0  }
0xa2: {  	[sflag:s17] =	ssyncadd.s32 $0xFFFFD800  }
0xa3: {  	v2 =	vld [tilespmem:$0x55F0];
	_ =	sdelay $0x7  }
0xa4: {  	[tilespmem:v2+s15+$0x0] =	vst.idx.add.f32.msk $0xffff, v1  }
0xa5: {  	v2 =	vld [tilespmem:$0x5600];
	_ =	sdelay $0x7  }
0xa6: {  	[tilespmem:v2+s15+$0x0] =	vst.idx.add.f32.msk $0xffff, v1  }
0xa7: {  	v2 =	vld [tilespmem:$0x5610];
	_ =	sdelay $0x7  }
0xa8: {  	[tilespmem:v2+s15+$0x0] =	vst.idx.add.f32.msk $0xffff, v1  }
0xa9: {  	v2 =	vld [tilespmem:$0x5620];
	_ =	sdelay $0x7  }
0xaa: {  	[tilespmem:v2+s15+$0x0] =	vst.idx.add.f32.msk $0xffff, v1  }
0xab: {  	v2 =	vld [tilespmem:$0x5630];
	_ =	sdelay $0x7  }
0xac: {  	[tilespmem:v2+s15+$0x0] =	vst.idx.add.f32.msk $0xffff, v1  }
0xad: {  	[spmem:s1] =	stream.indirect.scatter.add.f32 [tilespmem:s12], [sflag:$0x3], $0x80, s19, s16, $0xb8;
	[tilespmem:$0x5AC0] =	vst v63  }
0xae: {  	_ =	swait.ge [sflag:s11], $0x2800  }
0xaf: {  	[sflag:s11] =	ssyncset.done $0x0  }
0xb0: {  	[sflag:s11] =	ssyncadd.s32 $0xFFFFD800  }
0xb1: {  	[hbm4b:s7+s2] =	stream.linear.scatter [tilespmem:s15], [sflag:$0x3], $0x80, $0x38;
	[tilespmem:$0x5AC0] =	vst v63  }
0xb2: {  	_ =	swait.ge [sflag:s11], $0x80  }
0xb3: {  	[sflag:s11] =	ssyncset.done $0x0  }
0xb4: {  	s21 =	sadd.s32 $0x1, s21;
	[sflag:s11] =	ssyncadd.s32 $0xFFFFFF80  }
0xb5: {  	s22 =	simm.s32 @!p0 $0x1C03;
	p1 =	sne.s32 s21, s9;
	[bflag:$0x0] =	sbarrier.arrive $0xFFFF  }
0xb6: {  	[hbm:s8], [sflag:s22] =	dma.local @!p0 [spmem:s20], $0x800  }
.Ltmp1:
0xb7: {  	_ = 	snop;
	(pc) =	sbr.rel @p1 .LBB2_1-.Ltmp1, $4  }
0xb8: {  	s22 =	simm.s32 @!p0 $0x3  }
0xb9: {  	_ =	swait.ge @!p0 [sflag:s22], $0x800  }
0xba: {  	[sflag:s22] =	ssyncset.done @!p0 $0x0  }
0xbb: {  	[sflag:s22] =	ssyncadd.s32 @!p0 $0xFFFFF800  }
0xbc: {  	_ =	sfence.sel $0x180000  }
0xbd: {  	[bflag:$0x0] =	sbarrier.arrive $0xFFFF  }
0xbe: {  	_ =	strace $0x90000047  }
0xbf: {  	s0 =	sadd.s32 @!p0 $0x100000, s0;
	[bflag:$0x2] =	sbarrier.arrive $0xFFFF  }
0xc0: {  	[sflag:s0] =	ssyncadd.tile.s32 @!p0 $0x1;
	_ =	shalt  }
.Lfunc_end2:
_tile_overlayer_lowered:
.L_overlay_start_2:
0xc1: {  	(tag) =	ssettag $0x2  }
0xc2: {  	s0 =	rddreg [dreg:$0x0];
	s2 =	stileid.u32  }
0xc3: {  	s1 =	rddreg [dreg:$0x1];
	p0 =	sne.s32 s2, $0x0  }
0xc4: {  	s3 =	rddreg [dreg:$0x2];
	[bflag:$0x3] =	sbarrier.arrive $0xFFFF;
	s2 =	simm.s32 @!p0 $0x1C03  }
0xc5: {  	[timem:s3], [sflag:s2] =	dma.local @!p0 [hbm:s0], s1  }
0xc6: {  	s0 =	simm.s32 @!p0 $0x3  }
0xc7: {  	_ =	swait.ge @!p0 [sflag:s0], s1  }
0xc8: {  	s1 =	ssub.s32 @!p0 $0x0, s1;
	[sflag:s0] =	ssyncset.done @!p0 $0x0  }
0xc9: {  	[sflag:s0] =	ssyncadd.s32 @!p0 s1  }
0xca: {  	[bflag:$0x3] =	sbarrier.arrive $0xFFFF  }
0xcb: {  	_ =	shalt  }

</sc_bundles>
